<compile_context>
chip_gen: v7x
topology: tpu7x:2x2x1
jax: 0.10.2.dev20260603
libtpu: 0.0.44.dev20260713+nightly
codegen_flags: <defaults>
</compile_context>

<pallas_src>
import functools

import jax
import jax.numpy as jnp
from jax import lax
from jax.experimental import pallas as pl
from jax.experimental.pallas import tpu as pltpu
from jax.experimental.pallas import tpu_sc as plsc

N_FIELDS = 26
FIELD = 50
STRIDE = 51
N_COLS = N_FIELDS * STRIDE
N_BINS_PAD = 1408
BATCH = 1024
N_DENSE = 13
EMB = 32

_NC = 2
_NS = 16
_NW = _NC * _NS
_ROWS_PER_W = BATCH // _NW
_GROUP = 16
_N_GROUPS = _ROWS_PER_W // _GROUP


_HIST_WORDS = _GROUP * N_BINS_PAD
_ZERO_UNROLL = 16


def _zero_hist(hist_v):
    zeros = jnp.zeros((16,), jnp.float32)

    @plsc.parallel_loop(0, N_BINS_PAD // 64, unroll=2)
    def body(i):
        base = i * 64
        for r in range(_GROUP):
            for k in range(4):
                hist_v[r, pl.ds(base + k * 16, 16)] = zeros


def _scatter_group(block_v, hist_v):
    lanes = lax.iota(jnp.int32, 16)
    row_base = lanes * N_COLS
    ones = jnp.ones((16,), jnp.float32)
    zero16 = jnp.zeros((16,), jnp.int32)

    def field_body(f, _):
        col0 = row_base + f * STRIDE
        bin0 = zero16 + f * FIELD

        @plsc.parallel_loop(0, FIELD, unroll=10)
        def col_body(j):
            vals = plsc.load_gather(block_v, [col0 + j])
            plsc.addupdate_scatter(hist_v, [lanes, bin0 + vals], ones)

        return 0
    lax.fori_loop(0, N_FIELDS, field_body, 0)


def _sc_counts_body(sparse_hbm, counts_hbm, block0, block1, hist0, hist1,
                    isem0, isem1, osem0, osem1):
    wid = lax.axis_index("s") * _NC + lax.axis_index("c")
    b0 = wid * _ROWS_PER_W
    b1 = b0 + _GROUP

    in0 = pltpu.async_copy(
        sparse_hbm.at[pl.ds(b0 * N_COLS, _GROUP * N_COLS)], block0, isem0)
    in1 = pltpu.async_copy(
        sparse_hbm.at[pl.ds(b1 * N_COLS, _GROUP * N_COLS)], block1, isem1)
    _zero_hist(hist0)
    _zero_hist(hist1)
    in0.wait()
    _scatter_group(block0, hist0)
    out0 = pltpu.async_copy(
        hist0, counts_hbm.at[pl.ds(b0, _GROUP), :], osem0)
    in1.wait()
    _scatter_group(block1, hist1)
    out1 = pltpu.async_copy(
        hist1, counts_hbm.at[pl.ds(b1, _GROUP), :], osem1)
    out0.wait()
    out1.wait()


def _sc_counts(sparse_2d):
    mesh = plsc.VectorSubcoreMesh(core_axis_name="c", subcore_axis_name="s")
    f = pl.kernel(
        _sc_counts_body,
        mesh=mesh,
        out_type=jax.ShapeDtypeStruct((BATCH, N_BINS_PAD), jnp.float32),
        scratch_types=[
            pltpu.VMEM((_GROUP * N_COLS,), jnp.int32),
            pltpu.VMEM((_GROUP * N_COLS,), jnp.int32),
            pltpu.VMEM((_GROUP, N_BINS_PAD), jnp.float32),
            pltpu.VMEM((_GROUP, N_BINS_PAD), jnp.float32),
            pltpu.SemaphoreType.DMA,
            pltpu.SemaphoreType.DMA,
            pltpu.SemaphoreType.DMA,
            pltpu.SemaphoreType.DMA,
        ],
        compiler_params=pltpu.CompilerParams(needs_layout_passes=False),
    )
    return f(sparse_2d)


_TC_BLOCKS = 4
_TC_ROWS = BATCH // _TC_BLOCKS


def _tc_body(counts_ref, emb_ref, lin_ref, wf_ref, dense_ref, wd_ref, b_ref,
             out_ref):
    counts = counts_ref[...]
    emb = emb_ref[...]
    sq = jnp.sum(emb * emb, axis=1, keepdims=True)
    wl = lin_ref[...] * wf_ref[...]
    m = jnp.concatenate([emb, sq, wl], axis=1)
    p = jnp.dot(counts, m, preferred_element_type=jnp.float32)
    s = p[:, :EMB]
    square_of_sum = jnp.sum(s * s, axis=1, keepdims=True)
    sum_of_square = p[:, EMB:EMB + 1]
    lin_sparse = p[:, EMB + 1:EMB + 2]
    dense_lin = jnp.dot(dense_ref[...], wd_ref[...],
                        preferred_element_type=jnp.float32)
    out_ref[...] = (lin_sparse + dense_lin + b_ref[0, 0]
                    + 0.5 * (square_of_sum - sum_of_square))


def kernel(sparse_feat, dense_feat, linear_W, linear_b, lin_emb_tables,
           emb_tables):
    if sparse_feat.dtype != jnp.int32:
        sparse_feat = sparse_feat.astype(jnp.int32)
    counts = _sc_counts(sparse_feat.reshape(-1))

    n_bins = N_FIELDS * FIELD
    emb_pad = jnp.zeros((N_BINS_PAD, EMB), jnp.float32)
    emb_pad = emb_pad.at[:n_bins].set(emb_tables.reshape(n_bins, EMB))
    lin_pad = jnp.zeros((N_BINS_PAD, 1), jnp.float32)
    lin_pad = lin_pad.at[:n_bins].set(lin_emb_tables.reshape(n_bins, 1))
    wf_pad = jnp.zeros((N_BINS_PAD, 1), jnp.float32)
    wf_pad = wf_pad.at[:n_bins].set(
        jnp.repeat(linear_W[0, :N_FIELDS], FIELD).reshape(n_bins, 1))
    wd = linear_W[0, N_FIELDS:].reshape(N_DENSE, 1)
    b = linear_b.reshape(1, 1)

    if dense_feat.dtype != jnp.float32:
        dense_feat = dense_feat.astype(jnp.float32)
    out = pl.pallas_call(
        _tc_body,
        grid=(_TC_BLOCKS,),
        in_specs=[
            pl.BlockSpec((_TC_ROWS, N_BINS_PAD), lambda i: (i, 0)),
            pl.BlockSpec((N_BINS_PAD, EMB), lambda i: (0, 0)),
            pl.BlockSpec((N_BINS_PAD, 1), lambda i: (0, 0)),
            pl.BlockSpec((N_BINS_PAD, 1), lambda i: (0, 0)),
            pl.BlockSpec((_TC_ROWS, N_DENSE), lambda i: (i, 0)),
            pl.BlockSpec((N_DENSE, 1), lambda i: (0, 0)),
            pl.BlockSpec((1, 1), lambda i: (0, 0)),
        ],
        out_specs=pl.BlockSpec((_TC_ROWS, 1), lambda i: (i, 0)),
        out_shape=jax.ShapeDtypeStruct((BATCH, 1), jnp.float32),
    )(counts, emb_pad, lin_pad, wf_pad, dense_feat, wd, b)
    return out

# --- scband reference (transcript-rebuilt; emitter-appended) ---
"""Pipeline reference for scband-factorization-machine-26156350832970 (READ-ONLY COPY).

The authoritative reference and input builder live on the scoring server;
editing this copy changes nothing except your own understanding.
"""

import jax, jax.numpy as jnp
import numpy as np

FIELD_SIZES = [50] * 26
EMB_SIZE = 32
N_DENSE = 13
BATCH = 1024

def setup_inputs(seed: int = 0) -> dict:
    key = jax.random.key(seed)
    ks = jax.random.split(key, 6)
    total_width = sum(fs + 1 for fs in FIELD_SIZES)  # 1326
    sparse_feat = jax.random.randint(ks[0], (BATCH, total_width), 0, 50, dtype=jnp.int64 if jax.config.jax_enable_x64 else jnp.int32)
    dense_feat = jax.random.normal(ks[1], (BATCH, N_DENSE), dtype=jnp.float32)
    n_fields = len(FIELD_SIZES)
    linear_W = jax.random.normal(ks[2], (1, n_fields + N_DENSE), dtype=jnp.float32) * 0.1
    linear_b = jnp.zeros((1,), dtype=jnp.float32)
    lin_emb_tables = jax.random.normal(ks[3], (n_fields, 50, 1), dtype=jnp.float32) * 0.05
    emb_tables = jax.random.normal(ks[4], (n_fields, 50, EMB_SIZE), dtype=jnp.float32) * 0.05
    return {"sparse_feat": sparse_feat, "dense_feat": dense_feat, "linear_W": linear_W, "linear_b": linear_b, "lin_emb_tables": lin_emb_tables, "emb_tables": emb_tables}

def reference(sparse_feat, dense_feat, linear_W, linear_b, lin_emb_tables, emb_tables):
    linear_wx_list = []
    wx_list = []
    begin = 0
    for i, fs in enumerate(FIELD_SIZES):
        x_i = sparse_feat[:, begin:begin + fs]  # [B, fs] int indices < fs
        lw = jnp.take(lin_emb_tables[i], x_i, axis=0)  # [B, fs, 1]
        linear_wx_list.append(jnp.sum(lw, axis=1))      # [B, 1]
        wx_list.append(jnp.take(emb_tables[i], x_i, axis=0))  # [B, fs, emb]
        begin = begin + fs + 1
    linear_wx = jnp.concatenate(linear_wx_list, axis=-1)  # [B, n_fields]
    fm_linear_input = jnp.concatenate([linear_wx, dense_feat], axis=-1)  # [B, n_fields+n_dense]
    fm_linear_and_bias = fm_linear_input @ linear_W.T + linear_b  # [B, 1]
    w_x = jnp.concatenate(wx_list, axis=1)  # [B, sum(fs), emb]
    square_of_sum = jnp.power(jnp.sum(w_x, axis=1, keepdims=True), 2)  # [B,1,emb]
    sum_of_square = jnp.sum(w_x * w_x, axis=1, keepdims=True)          # [B,1,emb]
    cross_term = 0.5 * jnp.sum(square_of_sum - sum_of_square, axis=2)  # [B,1]
    return fm_linear_and_bias + cross_term

if __name__ == "__main__":
    import jax
    _d = setup_inputs()
    print(jax.jit(kernel)(*tuple(_d.values())))

</pallas_src>

<mosaic_0001>
#map = affine_map<(d0, d1) -> (0)>
#map1 = affine_map<(d0, d1) -> (0, 0)>
module attributes {stable_mosaic.version = 14 : i64} {
  func.func @_sc_counts_body(%arg0: i32, %arg1: i32, %arg2: memref<1357824xi32, #tpu.memory_space<hbm>>, %arg3: memref<1024x1408xf32, #tpu.memory_space<hbm>>, %arg4: memref<21216xi32, #tpu.memory_space<vmem>>, %arg5: memref<21216xi32, #tpu.memory_space<vmem>>, %arg6: memref<16x1408xf32, #tpu.memory_space<vmem>>, %arg7: memref<16x1408xf32, #tpu.memory_space<vmem>>, %arg8: memref<!tpu.dma_semaphore, #tpu.memory_space<semaphore_mem>>, %arg9: memref<!tpu.dma_semaphore, #tpu.memory_space<semaphore_mem>>, %arg10: memref<!tpu.dma_semaphore, #tpu.memory_space<semaphore_mem>>, %arg11: memref<!tpu.dma_semaphore, #tpu.memory_space<semaphore_mem>>) attributes {dimension_semantics = [#tpu.dimension_semantics<core_parallel>, #tpu.dimension_semantics<subcore_parallel>], iteration_bounds = array<i64: 2, 16>, scalar_prefetch = 0 : i64, scratch_operands = 8 : i64, tpu.core_type = #tpu.core_type<sc_vector_subcore>, window_params = [{transform_indices = #map}, {transform_indices = #map1}]} {
    %mul3A = arith.constant 2 : i32
    %mul3A_0 = arith.muli %arg1, %mul3A : i32
    %add3A = arith.addi %mul3A_0, %arg0 : i32
    %mul3A_1 = arith.constant 32 : i32
    %mul3A_2 = arith.muli %add3A, %mul3A_1 : i32
    %add3A_3 = arith.constant 16 : i32
    %add3A_4 = arith.addi %mul3A_2, %add3A_3 : i32
    %mul3A_5 = arith.constant 1326 : i32
    %mul3A_6 = arith.muli %mul3A_2, %mul3A_5 : i32
    %dma_start3A = tpu.memref_slice %arg2[%mul3A_6] : memref<1357824xi32, #tpu.memory_space<hbm>> -> memref<21216xi32, #tpu.memory_space<hbm>>
    %dma_start3A_7 = tpu.memref_slice %arg2[%mul3A_6] : memref<1357824xi32, #tpu.memory_space<hbm>> -> memref<21216xi32, #tpu.memory_space<hbm>>
    tpu.enqueue_dma source(%dma_start3A_7 : memref<21216xi32, #tpu.memory_space<hbm>>) target(%arg4 : memref<21216xi32, #tpu.memory_space<vmem>>) target_semaphore(%arg8 : memref<!tpu.dma_semaphore, #tpu.memory_space<semaphore_mem>>)
    %mul3A_8 = arith.constant 1326 : i32
    %mul3A_9 = arith.muli %add3A_4, %mul3A_8 : i32
    %dma_start3A_10 = tpu.memref_slice %arg2[%mul3A_9] : memref<1357824xi32, #tpu.memory_space<hbm>> -> memref<21216xi32, #tpu.memory_space<hbm>>
    %dma_start3A_11 = tpu.memref_slice %arg2[%mul3A_9] : memref<1357824xi32, #tpu.memory_space<hbm>> -> memref<21216xi32, #tpu.memory_space<hbm>>
    tpu.enqueue_dma source(%dma_start3A_11 : memref<21216xi32, #tpu.memory_space<hbm>>) target(%arg5 : memref<21216xi32, #tpu.memory_space<vmem>>) target_semaphore(%arg9 : memref<!tpu.dma_semaphore, #tpu.memory_space<semaphore_mem>>)
    %broadcast_in_dim3A = arith.constant 0.000000e+00 : f32
    %broadcast_in_dim3A_12 = vector.broadcast %broadcast_in_dim3A : f32 to vector<16xf32>
    %parallel_loop3A = arith.constant 0 : i32
    %parallel_loop3A_13 = arith.constant 22 : i32
    %parallel_loop3A_14 = arith.constant 1 : i32
    scf.for %parallel_loop3A_67 = %parallel_loop3A to %parallel_loop3A_13 step %parallel_loop3A_14  : i32 {
      %parallel_loop3A_68 = arith.constant 64 : i32
      %parallel_loop3A_69 = arith.muli %parallel_loop3A_67, %parallel_loop3A_68 : i32
      %parallel_loop3A_70 = arith.constant 0 : i32
      %parallel_loop3A_71 = arith.addi %parallel_loop3A_69, %parallel_loop3A_70 : i32
      %parallel_loop3A_72 = arith.constant 0 : i32
      %parallel_loop3A_73 = arith.index_cast %parallel_loop3A_72 : i32 to index
      %parallel_loop3A_74 = arith.index_cast %parallel_loop3A_71 : i32 to index
      %parallel_loop3A_75 = tpu.vector_load %arg6[%parallel_loop3A_73, %parallel_loop3A_74] {strides = array<i32>} : memref<16x1408xf32, #tpu.memory_space<vmem>>, vector<16xf32>,
      tpu.vector_store %arg6[%parallel_loop3A_73, %parallel_loop3A_74], %broadcast_in_dim3A_12 {strides = array<i32>} : memref<16x1408xf32, #tpu.memory_space<vmem>>, vector<16xf32>,
      %parallel_loop3A_76 = arith.constant 16 : i32
      %parallel_loop3A_77 = arith.addi %parallel_loop3A_69, %parallel_loop3A_76 : i32
      %parallel_loop3A_78 = arith.constant 0 : i32
      %parallel_loop3A_79 = arith.index_cast %parallel_loop3A_78 : i32 to index
      %parallel_loop3A_80 = arith.index_cast %parallel_loop3A_77 : i32 to index
      %parallel_loop3A_81 = tpu.vector_load %arg6[%parallel_loop3A_79, %parallel_loop3A_80] {strides = array<i32>} : memref<16x1408xf32, #tpu.memory_space<vmem>>, vector<16xf32>,
      tpu.vector_store %arg6[%parallel_loop3A_79, %parallel_loop3A_80], %broadcast_in_dim3A_12 {strides = array<i32>} : memref<16x1408xf32, #tpu.memory_space<vmem>>, vector<16xf32>,
      %parallel_loop3A_82 = arith.constant 32 : i32
      %parallel_loop3A_83 = arith.addi %parallel_loop3A_69, %parallel_loop3A_82 : i32
      %parallel_loop3A_84 = arith.constant 0 : i32
      %parallel_loop3A_85 = arith.index_cast %parallel_loop3A_84 : i32 to index
      %parallel_loop3A_86 = arith.index_cast %parallel_loop3A_83 : i32 to index
      %parallel_loop3A_87 = tpu.vector_load %arg6[%parallel_loop3A_85, %parallel_loop3A_86] {strides = array<i32>} : memref<16x1408xf32, #tpu.memory_space<vmem>>, vector<16xf32>,
      tpu.vector_store %arg6[%parallel_loop3A_85, %parallel_loop3A_86], %broadcast_in_dim3A_12 {strides = array<i32>} : memref<16x1408xf32, #tpu.memory_space<vmem>>, vector<16xf32>,
      %parallel_loop3A_88 = arith.constant 48 : i32
      %parallel_loop3A_89 = arith.addi %parallel_loop3A_69, %parallel_loop3A_88 : i32
      %parallel_loop3A_90 = arith.constant 0 : i32
      %parallel_loop3A_91 = arith.index_cast %parallel_loop3A_90 : i32 to index
      %parallel_loop3A_92 = arith.index_cast %parallel_loop3A_89 : i32 to index
      %parallel_loop3A_93 = tpu.vector_load %arg6[%parallel_loop3A_91, %parallel_loop3A_92] {strides = array<i32>} : memref<16x1408xf32, #tpu.memory_space<vmem>>, vector<16xf32>,
      tpu.vector_store %arg6[%parallel_loop3A_91, %parallel_loop3A_92], %broadcast_in_dim3A_12 {strides = array<i32>} : memref<16x1408xf32, #tpu.memory_space<vmem>>, vector<16xf32>,
      %parallel_loop3A_94 = arith.constant 0 : i32
      %parallel_loop3A_95 = arith.addi %parallel_loop3A_69, %parallel_loop3A_94 : i32
      %parallel_loop3A_96 = arith.constant 1 : i32
      %parallel_loop3A_97 = arith.index_cast %parallel_loop3A_96 : i32 to index
      %parallel_loop3A_98 = arith.index_cast %parallel_loop3A_95 : i32 to index
      %parallel_loop3A_99 = tpu.vector_load %arg6[%parallel_loop3A_97, %parallel_loop3A_98] {strides = array<i32>} : memref<16x1408xf32, #tpu.memory_space<vmem>>, vector<16xf32>,
      tpu.vector_store %arg6[%parallel_loop3A_97, %parallel_loop3A_98], %broadcast_in_dim3A_12 {strides = array<i32>} : memref<16x1408xf32, #tpu.memory_space<vmem>>, vector<16xf32>,
      %parallel_loop3A_100 = arith.constant 16 : i32
      %parallel_loop3A_101 = arith.addi %parallel_loop3A_69, %parallel_loop3A_100 : i32
      %parallel_loop3A_102 = arith.constant 1 : i32
      %parallel_loop3A_103 = arith.index_cast %parallel_loop3A_102 : i32 to index
      %parallel_loop3A_104 = arith.index_cast %parallel_loop3A_101 : i32 to index
      %parallel_loop3A_105 = tpu.vector_load %arg6[%parallel_loop3A_103, %parallel_loop3A_104] {strides = array<i32>} : memref<16x1408xf32, #tpu.memory_space<vmem>>, vector<16xf32>,
      tpu.vector_store %arg6[%parallel_loop3A_103, %parallel_loop3A_104], %broadcast_in_dim3A_12 {strides = array<i32>} : memref<16x1408xf32, #tpu.memory_space<vmem>>, vector<16xf32>,
      %parallel_loop3A_106 = arith.constant 32 : i32
      %parallel_loop3A_107 = arith.addi %parallel_loop3A_69, %parallel_loop3A_106 : i32
      %parallel_loop3A_108 = arith.constant 1 : i32
      %parallel_loop3A_109 = arith.index_cast %parallel_loop3A_108 : i32 to index
      %parallel_loop3A_110 = arith.index_cast %parallel_loop3A_107 : i32 to index
      %parallel_loop3A_111 = tpu.vector_load %arg6[%parallel_loop3A_109, %parallel_loop3A_110] {strides = array<i32>} : memref<16x1408xf32, #tpu.memory_space<vmem>>, vector<16xf32>,
      tpu.vector_store %arg6[%parallel_loop3A_109, %parallel_loop3A_110], %broadcast_in_dim3A_12 {strides = array<i32>} : memref<16x1408xf32, #tpu.memory_space<vmem>>, vector<16xf32>,
      %parallel_loop3A_112 = arith.constant 48 : i32
      %parallel_loop3A_113 = arith.addi %parallel_loop3A_69, %parallel_loop3A_112 : i32
      %parallel_loop3A_114 = arith.constant 1 : i32
      %parallel_loop3A_115 = arith.index_cast %parallel_loop3A_114 : i32 to index
      %parallel_loop3A_116 = arith.index_cast %parallel_loop3A_113 : i32 to index
      %parallel_loop3A_117 = tpu.vector_load %arg6[%parallel_loop3A_115, %parallel_loop3A_116] {strides = array<i32>} : memref<16x1408xf32, #tpu.memory_space<vmem>>, vector<16xf32>,
      tpu.vector_store %arg6[%parallel_loop3A_115, %parallel_loop3A_116], %broadcast_in_dim3A_12 {strides = array<i32>} : memref<16x1408xf32, #tpu.memory_space<vmem>>, vector<16xf32>,
      %parallel_loop3A_118 = arith.constant 0 : i32
      %parallel_loop3A_119 = arith.addi %parallel_loop3A_69, %parallel_loop3A_118 : i32
      %parallel_loop3A_120 = arith.constant 2 : i32
      %parallel_loop3A_121 = arith.index_cast %parallel_loop3A_120 : i32 to index
      %parallel_loop3A_122 = arith.index_cast %parallel_loop3A_119 : i32 to index
      %parallel_loop3A_123 = tpu.vector_load %arg6[%parallel_loop3A_121, %parallel_loop3A_122] {strides = array<i32>} : memref<16x1408xf32, #tpu.memory_space<vmem>>, vector<16xf32>,
      tpu.vector_store %arg6[%parallel_loop3A_121, %parallel_loop3A_122], %broadcast_in_dim3A_12 {strides = array<i32>} : memref<16x1408xf32, #tpu.memory_space<vmem>>, vector<16xf32>,
      %parallel_loop3A_124 = arith.constant 16 : i32
      %parallel_loop3A_125 = arith.addi %parallel_loop3A_69, %parallel_loop3A_124 : i32
      %parallel_loop3A_126 = arith.constant 2 : i32
      %parallel_loop3A_127 = arith.index_cast %parallel_loop3A_126 : i32 to index
      %parallel_loop3A_128 = arith.index_cast %parallel_loop3A_125 : i32 to index
      %parallel_loop3A_129 = tpu.vector_load %arg6[%parallel_loop3A_127, %parallel_loop3A_128] {strides = array<i32>} : memref<16x1408xf32, #tpu.memory_space<vmem>>, vector<16xf32>,
      tpu.vector_store %arg6[%parallel_loop3A_127, %parallel_loop3A_128], %broadcast_in_dim3A_12 {strides = array<i32>} : memref<16x1408xf32, #tpu.memory_space<vmem>>, vector<16xf32>,
      %parallel_loop3A_130 = arith.constant 32 : i32
      %parallel_loop3A_131 = arith.addi %parallel_loop3A_69, %parallel_loop3A_130 : i32
      %parallel_loop3A_132 = arith.constant 2 : i32
      %parallel_loop3A_133 = arith.index_cast %parallel_loop3A_132 : i32 to index
      %parallel_loop3A_134 = arith.index_cast %parallel_loop3A_131 : i32 to index
      %parallel_loop3A_135 = tpu.vector_load %arg6[%parallel_loop3A_133, %parallel_loop3A_134] {strides = array<i32>} : memref<16x1408xf32, #tpu.memory_space<vmem>>, vector<16xf32>,
      tpu.vector_store %arg6[%parallel_loop3A_133, %parallel_loop3A_134], %broadcast_in_dim3A_12 {strides = array<i32>} : memref<16x1408xf32, #tpu.memory_space<vmem>>, vector<16xf32>,
      %parallel_loop3A_136 = arith.constant 48 : i32
      %parallel_loop3A_137 = arith.addi %parallel_loop3A_69, %parallel_loop3A_136 : i32
      %parallel_loop3A_138 = arith.constant 2 : i32
      %parallel_loop3A_139 = arith.index_cast %parallel_loop3A_138 : i32 to index
      %parallel_loop3A_140 = arith.index_cast %parallel_loop3A_137 : i32 to index
      %parallel_loop3A_141 = tpu.vector_load %arg6[%parallel_loop3A_139, %parallel_loop3A_140] {strides = array<i32>} : memref<16x1408xf32, #tpu.memory_space<vmem>>, vector<16xf32>,
      tpu.vector_store %arg6[%parallel_loop3A_139, %parallel_loop3A_140], %broadcast_in_dim3A_12 {strides = array<i32>} : memref<16x1408xf32, #tpu.memory_space<vmem>>, vector<16xf32>,
      %parallel_loop3A_142 = arith.constant 0 : i32
      %parallel_loop3A_143 = arith.addi %parallel_loop3A_69, %parallel_loop3A_142 : i32
      %parallel_loop3A_144 = arith.constant 3 : i32
      %parallel_loop3A_145 = arith.index_cast %parallel_loop3A_144 : i32 to index
      %parallel_loop3A_146 = arith.index_cast %parallel_loop3A_143 : i32 to index
      %parallel_loop3A_147 = tpu.vector_load %arg6[%parallel_loop3A_145, %parallel_loop3A_146] {strides = array<i32>} : memref<16x1408xf32, #tpu.memory_space<vmem>>, vector<16xf32>,
      tpu.vector_store %arg6[%parallel_loop3A_145, %parallel_loop3A_146], %broadcast_in_dim3A_12 {strides = array<i32>} : memref<16x1408xf32, #tpu.memory_space<vmem>>, vector<16xf32>,
      %parallel_loop3A_148 = arith.constant 16 : i32
      %parallel_loop3A_149 = arith.addi %parallel_loop3A_69, %parallel_loop3A_148 : i32
      %parallel_loop3A_150 = arith.constant 3 : i32
      %parallel_loop3A_151 = arith.index_cast %parallel_loop3A_150 : i32 to index
      %parallel_loop3A_152 = arith.index_cast %parallel_loop3A_149 : i32 to index
      %parallel_loop3A_153 = tpu.vector_load %arg6[%parallel_loop3A_151, %parallel_loop3A_152] {strides = array<i32>} : memref<16x1408xf32, #tpu.memory_space<vmem>>, vector<16xf32>,
      tpu.vector_store %arg6[%parallel_loop3A_151, %parallel_loop3A_152], %broadcast_in_dim3A_12 {strides = array<i32>} : memref<16x1408xf32, #tpu.memory_space<vmem>>, vector<16xf32>,
      %parallel_loop3A_154 = arith.constant 32 : i32
      %parallel_loop3A_155 = arith.addi %parallel_loop3A_69, %parallel_loop3A_154 : i32
      %parallel_loop3A_156 = arith.constant 3 : i32
      %parallel_loop3A_157 = arith.index_cast %parallel_loop3A_156 : i32 to index
      %parallel_loop3A_158 = arith.index_cast %parallel_loop3A_155 : i32 to index
      %parallel_loop3A_159 = tpu.vector_load %arg6[%parallel_loop3A_157, %parallel_loop3A_158] {strides = array<i32>} : memref<16x1408xf32, #tpu.memory_space<vmem>>, vector<16xf32>,
      tpu.vector_store %arg6[%parallel_loop3A_157, %parallel_loop3A_158], %broadcast_in_dim3A_12 {strides = array<i32>} : memref<16x1408xf32, #tpu.memory_space<vmem>>, vector<16xf32>,
      %parallel_loop3A_160 = arith.constant 48 : i32
      %parallel_loop3A_161 = arith.addi %parallel_loop3A_69, %parallel_loop3A_160 : i32
      %parallel_loop3A_162 = arith.constant 3 : i32
      %parallel_loop3A_163 = arith.index_cast %parallel_loop3A_162 : i32 to index
      %parallel_loop3A_164 = arith.index_cast %parallel_loop3A_161 : i32 to index
      %parallel_loop3A_165 = tpu.vector_load %arg6[%parallel_loop3A_163, %parallel_loop3A_164] {strides = array<i32>} : memref<16x1408xf32, #tpu.memory_space<vmem>>, vector<16xf32>,
      tpu.vector_store %arg6[%parallel_loop3A_163, %parallel_loop3A_164], %broadcast_in_dim3A_12 {strides = array<i32>} : memref<16x1408xf32, #tpu.memory_space<vmem>>, vector<16xf32>,
      %parallel_loop3A_166 = arith.constant 0 : i32
      %parallel_loop3A_167 = arith.addi %parallel_loop3A_69, %parallel_loop3A_166 : i32
      %parallel_loop3A_168 = arith.constant 4 : i32
      %parallel_loop3A_169 = arith.index_cast %parallel_loop3A_168 : i32 to index
      %parallel_loop3A_170 = arith.index_cast %parallel_loop3A_167 : i32 to index
      %parallel_loop3A_171 = tpu.vector_load %arg6[%parallel_loop3A_169, %parallel_loop3A_170] {strides = array<i32>} : memref<16x1408xf32, #tpu.memory_space<vmem>>, vector<16xf32>,
      tpu.vector_store %arg6[%parallel_loop3A_169, %parallel_loop3A_170], %broadcast_in_dim3A_12 {strides = array<i32>} : memref<16x1408xf32, #tpu.memory_space<vmem>>, vector<16xf32>,
      %parallel_loop3A_172 = arith.constant 16 : i32
      %parallel_loop3A_173 = arith.addi %parallel_loop3A_69, %parallel_loop3A_172 : i32
      %parallel_loop3A_174 = arith.constant 4 : i32
      %parallel_loop3A_175 = arith.index_cast %parallel_loop3A_174 : i32 to index
      %parallel_loop3A_176 = arith.index_cast %parallel_loop3A_173 : i32 to index
      %parallel_loop3A_177 = tpu.vector_load %arg6[%parallel_loop3A_175, %parallel_loop3A_176] {strides = array<i32>} : memref<16x1408xf32, #tpu.memory_space<vmem>>, vector<16xf32>,
      tpu.vector_store %arg6[%parallel_loop3A_175, %parallel_loop3A_176], %broadcast_in_dim3A_12 {strides = array<i32>} : memref<16x1408xf32, #tpu.memory_space<vmem>>, vector<16xf32>,
      %parallel_loop3A_178 = arith.constant 32 : i32
      %parallel_loop3A_179 = arith.addi %parallel_loop3A_69, %parallel_loop3A_178 : i32
      %parallel_loop3A_180 = arith.constant 4 : i32
      %parallel_loop3A_181 = arith.index_cast %parallel_loop3A_180 : i32 to index
      %parallel_loop3A_182 = arith.index_cast %parallel_loop3A_179 : i32 to index
      %parallel_loop3A_183 = tpu.vector_load %arg6[%parallel_loop3A_181, %parallel_loop3A_182] {strides = array<i32>} : memref<16x1408xf32, #tpu.memory_space<vmem>>, vector<16xf32>,
      tpu.vector_store %arg6[%parallel_loop3A_181, %parallel_loop3A_182], %broadcast_in_dim3A_12 {strides = array<i32>} : memref<16x1408xf32, #tpu.memory_space<vmem>>, vector<16xf32>,
      %parallel_loop3A_184 = arith.constant 48 : i32
      %parallel_loop3A_185 = arith.addi %parallel_loop3A_69, %parallel_loop3A_184 : i32
      %parallel_loop3A_186 = arith.constant 4 : i32
      %parallel_loop3A_187 = arith.index_cast %parallel_loop3A_186 : i32 to index
      %parallel_loop3A_188 = arith.index_cast %parallel_loop3A_185 : i32 to index
      %parallel_loop3A_189 = tpu.vector_load %arg6[%parallel_loop3A_187, %parallel_loop3A_188] {strides = array<i32>} : memref<16x1408xf32, #tpu.memory_space<vmem>>, vector<16xf32>,
      tpu.vector_store %arg6[%parallel_loop3A_187, %parallel_loop3A_188], %broadcast_in_dim3A_12 {strides = array<i32>} : memref<16x1408xf32, #tpu.memory_space<vmem>>, vector<16xf32>,
      %parallel_loop3A_190 = arith.constant 0 : i32
      %parallel_loop3A_191 = arith.addi %parallel_loop3A_69, %parallel_loop3A_190 : i32
      %parallel_loop3A_192 = arith.constant 5 : i32
      %parallel_loop3A_193 = arith.index_cast %parallel_loop3A_192 : i32 to index
      %parallel_loop3A_194 = arith.index_cast %parallel_loop3A_191 : i32 to index
      %parallel_loop3A_195 = tpu.vector_load %arg6[%parallel_loop3A_193, %parallel_loop3A_194] {strides = array<i32>} : memref<16x1408xf32, #tpu.memory_space<vmem>>, vector<16xf32>,
      tpu.vector_store %arg6[%parallel_loop3A_193, %parallel_loop3A_194], %broadcast_in_dim3A_12 {strides = array<i32>} : memref<16x1408xf32, #tpu.memory_space<vmem>>, vector<16xf32>,
      %parallel_loop3A_196 = arith.constant 16 : i32
      %parallel_loop3A_197 = arith.addi %parallel_loop3A_69, %parallel_loop3A_196 : i32
      %parallel_loop3A_198 = arith.constant 5 : i32
      %parallel_loop3A_199 = arith.index_cast %parallel_loop3A_198 : i32 to index
      %parallel_loop3A_200 = arith.index_cast %parallel_loop3A_197 : i32 to index
      %parallel_loop3A_201 = tpu.vector_load %arg6[%parallel_loop3A_199, %parallel_loop3A_200] {strides = array<i32>} : memref<16x1408xf32, #tpu.memory_space<vmem>>, vector<16xf32>,
      tpu.vector_store %arg6[%parallel_loop3A_199, %parallel_loop3A_200], %broadcast_in_dim3A_12 {strides = array<i32>} : memref<16x1408xf32, #tpu.memory_space<vmem>>, vector<16xf32>,
      %parallel_loop3A_202 = arith.constant 32 : i32
      %parallel_loop3A_203 = arith.addi %parallel_loop3A_69, %parallel_loop3A_202 : i32
      %parallel_loop3A_204 = arith.constant 5 : i32
      %parallel_loop3A_205 = arith.index_cast %parallel_loop3A_204 : i32 to index
      %parallel_loop3A_206 = arith.index_cast %parallel_loop3A_203 : i32 to index
      %parallel_loop3A_207 = tpu.vector_load %arg6[%parallel_loop3A_205, %parallel_loop3A_206] {strides = array<i32>} : memref<16x1408xf32, #tpu.memory_space<vmem>>, vector<16xf32>,
      tpu.vector_store %arg6[%parallel_loop3A_205, %parallel_loop3A_206], %broadcast_in_dim3A_12 {strides = array<i32>} : memref<16x1408xf32, #tpu.memory_space<vmem>>, vector<16xf32>,
      %parallel_loop3A_208 = arith.constant 48 : i32
      %parallel_loop3A_209 = arith.addi %parallel_loop3A_69, %parallel_loop3A_208 : i32
      %parallel_loop3A_210 = arith.constant 5 : i32
      %parallel_loop3A_211 = arith.index_cast %parallel_loop3A_210 : i32 to index
      %parallel_loop3A_212 = arith.index_cast %parallel_loop3A_209 : i32 to index
      %parallel_loop3A_213 = tpu.vector_load %arg6[%parallel_loop3A_211, %parallel_loop3A_212] {strides = array<i32>} : memref<16x1408xf32, #tpu.memory_space<vmem>>, vector<16xf32>,
      tpu.vector_store %arg6[%parallel_loop3A_211, %parallel_loop3A_212], %broadcast_in_dim3A_12 {strides = array<i32>} : memref<16x1408xf32, #tpu.memory_space<vmem>>, vector<16xf32>,
      %parallel_loop3A_214 = arith.constant 0 : i32
      %parallel_loop3A_215 = arith.addi %parallel_loop3A_69, %parallel_loop3A_214 : i32
      %parallel_loop3A_216 = arith.constant 6 : i32
      %parallel_loop3A_217 = arith.index_cast %parallel_loop3A_216 : i32 to index
      %parallel_loop3A_218 = arith.index_cast %parallel_loop3A_215 : i32 to index
      %parallel_loop3A_219 = tpu.vector_load %arg6[%parallel_loop3A_217, %parallel_loop3A_218] {strides = array<i32>} : memref<16x1408xf32, #tpu.memory_space<vmem>>, vector<16xf32>,
      tpu.vector_store %arg6[%parallel_loop3A_217, %parallel_loop3A_218], %broadcast_in_dim3A_12 {strides = array<i32>} : memref<16x1408xf32, #tpu.memory_space<vmem>>, vector<16xf32>,
      %parallel_loop3A_220 = arith.constant 16 : i32
      %parallel_loop3A_221 = arith.addi %parallel_loop3A_69, %parallel_loop3A_220 : i32
      %parallel_loop3A_222 = arith.constant 6 : i32
      %parallel_loop3A_223 = arith.index_cast %parallel_loop3A_222 : i32 to index
      %parallel_loop3A_224 = arith.index_cast %parallel_loop3A_221 : i32 to index
      %parallel_loop3A_225 = tpu.vector_load %arg6[%parallel_loop3A_223, %parallel_loop3A_224] {strides = array<i32>} : memref<16x1408xf32, #tpu.memory_space<vmem>>, vector<16xf32>,
      tpu.vector_store %arg6[%parallel_loop3A_223, %parallel_loop3A_224], %broadcast_in_dim3A_12 {strides = array<i32>} : memref<16x1408xf32, #tpu.memory_space<vmem>>, vector<16xf32>,
      %parallel_loop3A_226 = arith.constant 32 : i32
      %parallel_loop3A_227 = arith.addi %parallel_loop3A_69, %parallel_loop3A_226 : i32
      %parallel_loop3A_228 = arith.constant 6 : i32
      %parallel_loop3A_229 = arith.index_cast %parallel_loop3A_228 : i32 to index
      %parallel_loop3A_230 = arith.index_cast %parallel_loop3A_227 : i32 to index
      %parallel_loop3A_231 = tpu.vector_load %arg6[%parallel_loop3A_229, %parallel_loop3A_230] {strides = array<i32>} : memref<16x1408xf32, #tpu.memory_space<vmem>>, vector<16xf32>,
      tpu.vector_store %arg6[%parallel_loop3A_229, %parallel_loop3A_230], %broadcast_in_dim3A_12 {strides = array<i32>} : memref<16x1408xf32, #tpu.memory_space<vmem>>, vector<16xf32>,
      %parallel_loop3A_232 = arith.constant 48 : i32
      %parallel_loop3A_233 = arith.addi %parallel_loop3A_69, %parallel_loop3A_232 : i32
      %parallel_loop3A_234 = arith.constant 6 : i32
      %parallel_loop3A_235 = arith.index_cast %parallel_loop3A_234 : i32 to index
      %parallel_loop3A_236 = arith.index_cast %parallel_loop3A_233 : i32 to index
      %parallel_loop3A_237 = tpu.vector_load %arg6[%parallel_loop3A_235, %parallel_loop3A_236] {strides = array<i32>} : memref<16x1408xf32, #tpu.memory_space<vmem>>, vector<16xf32>,
      tpu.vector_store %arg6[%parallel_loop3A_235, %parallel_loop3A_236], %broadcast_in_dim3A_12 {strides = array<i32>} : memref<16x1408xf32, #tpu.memory_space<vmem>>, vector<16xf32>,
      %parallel_loop3A_238 = arith.constant 0 : i32
      %parallel_loop3A_239 = arith.addi %parallel_loop3A_69, %parallel_loop3A_238 : i32
      %parallel_loop3A_240 = arith.constant 7 : i32
      %parallel_loop3A_241 = arith.index_cast %parallel_loop3A_240 : i32 to index
      %parallel_loop3A_242 = arith.index_cast %parallel_loop3A_239 : i32 to index
      %parallel_loop3A_243 = tpu.vector_load %arg6[%parallel_loop3A_241, %parallel_loop3A_242] {strides = array<i32>} : memref<16x1408xf32, #tpu.memory_space<vmem>>, vector<16xf32>,
      tpu.vector_store %arg6[%parallel_loop3A_241, %parallel_loop3A_242], %broadcast_in_dim3A_12 {strides = array<i32>} : memref<16x1408xf32, #tpu.memory_space<vmem>>, vector<16xf32>,
      %parallel_loop3A_244 = arith.constant 16 : i32
      %parallel_loop3A_245 = arith.addi %parallel_loop3A_69, %parallel_loop3A_244 : i32
      %parallel_loop3A_246 = arith.constant 7 : i32
      %parallel_loop3A_247 = arith.index_cast %parallel_loop3A_246 : i32 to index
      %parallel_loop3A_248 = arith.index_cast %parallel_loop3A_245 : i32 to index
      %parallel_loop3A_249 = tpu.vector_load %arg6[%parallel_loop3A_247, %parallel_loop3A_248] {strides = array<i32>} : memref<16x1408xf32, #tpu.memory_space<vmem>>, vector<16xf32>,
      tpu.vector_store %arg6[%parallel_loop3A_247, %parallel_loop3A_248], %broadcast_in_dim3A_12 {strides = array<i32>} : memref<16x1408xf32, #tpu.memory_space<vmem>>, vector<16xf32>,
      %parallel_loop3A_250 = arith.constant 32 : i32
      %parallel_loop3A_251 = arith.addi %parallel_loop3A_69, %parallel_loop3A_250 : i32
      %parallel_loop3A_252 = arith.constant 7 : i32
      %parallel_loop3A_253 = arith.index_cast %parallel_loop3A_252 : i32 to index
      %parallel_loop3A_254 = arith.index_cast %parallel_loop3A_251 : i32 to index
      %parallel_loop3A_255 = tpu.vector_load %arg6[%parallel_loop3A_253, %parallel_loop3A_254] {strides = array<i32>} : memref<16x1408xf32, #tpu.memory_space<vmem>>, vector<16xf32>,
      tpu.vector_store %arg6[%parallel_loop3A_253, %parallel_loop3A_254], %broadcast_in_dim3A_12 {strides = array<i32>} : memref<16x1408xf32, #tpu.memory_space<vmem>>, vector<16xf32>,
      %parallel_loop3A_256 = arith.constant 48 : i32
      %parallel_loop3A_257 = arith.addi %parallel_loop3A_69, %parallel_loop3A_256 : i32
      %parallel_loop3A_258 = arith.constant 7 : i32
      %parallel_loop3A_259 = arith.index_cast %parallel_loop3A_258 : i32 to index
      %parallel_loop3A_260 = arith.index_cast %parallel_loop3A_257 : i32 to index
      %parallel_loop3A_261 = tpu.vector_load %arg6[%parallel_loop3A_259, %parallel_loop3A_260] {strides = array<i32>} : memref<16x1408xf32, #tpu.memory_space<vmem>>, vector<16xf32>,
      tpu.vector_store %arg6[%parallel_loop3A_259, %parallel_loop3A_260], %broadcast_in_dim3A_12 {strides = array<i32>} : memref<16x1408xf32, #tpu.memory_space<vmem>>, vector<16xf32>,
      %parallel_loop3A_262 = arith.constant 0 : i32
      %parallel_loop3A_263 = arith.addi %parallel_loop3A_69, %parallel_loop3A_262 : i32
      %parallel_loop3A_264 = arith.constant 8 : i32
      %parallel_loop3A_265 = arith.index_cast %parallel_loop3A_264 : i32 to index
      %parallel_loop3A_266 = arith.index_cast %parallel_loop3A_263 : i32 to index
      %parallel_loop3A_267 = tpu.vector_load %arg6[%parallel_loop3A_265, %parallel_loop3A_266] {strides = array<i32>} : memref<16x1408xf32, #tpu.memory_space<vmem>>, vector<16xf32>,
      tpu.vector_store %arg6[%parallel_loop3A_265, %parallel_loop3A_266], %broadcast_in_dim3A_12 {strides = array<i32>} : memref<16x1408xf32, #tpu.memory_space<vmem>>, vector<16xf32>,
      %parallel_loop3A_268 = arith.constant 16 : i32
      %parallel_loop3A_269 = arith.addi %parallel_loop3A_69, %parallel_loop3A_268 : i32
      %parallel_loop3A_270 = arith.constant 8 : i32
      %parallel_loop3A_271 = arith.index_cast %parallel_loop3A_270 : i32 to index
      %parallel_loop3A_272 = arith.index_cast %parallel_loop3A_269 : i32 to index
      %parallel_loop3A_273 = tpu.vector_load %arg6[%parallel_loop3A_271, %parallel_loop3A_272] {strides = array<i32>} : memref<16x1408xf32, #tpu.memory_space<vmem>>, vector<16xf32>,
      tpu.vector_store %arg6[%parallel_loop3A_271, %parallel_loop3A_272], %broadcast_in_dim3A_12 {strides = array<i32>} : memref<16x1408xf32, #tpu.memory_space<vmem>>, vector<16xf32>,
      %parallel_loop3A_274 = arith.constant 32 : i32
      %parallel_loop3A_275 = arith.addi %parallel_loop3A_69, %parallel_loop3A_274 : i32
      %parallel_loop3A_276 = arith.constant 8 : i32
      %parallel_loop3A_277 = arith.index_cast %parallel_loop3A_276 : i32 to index
      %parallel_loop3A_278 = arith.index_cast %parallel_loop3A_275 : i32 to index
      %parallel_loop3A_279 = tpu.vector_load %arg6[%parallel_loop3A_277, %parallel_loop3A_278] {strides = array<i32>} : memref<16x1408xf32, #tpu.memory_space<vmem>>, vector<16xf32>,
      tpu.vector_store %arg6[%parallel_loop3A_277, %parallel_loop3A_278], %broadcast_in_dim3A_12 {strides = array<i32>} : memref<16x1408xf32, #tpu.memory_space<vmem>>, vector<16xf32>,
      %parallel_loop3A_280 = arith.constant 48 : i32
      %parallel_loop3A_281 = arith.addi %parallel_loop3A_69, %parallel_loop3A_280 : i32
      %parallel_loop3A_282 = arith.constant 8 : i32
      %parallel_loop3A_283 = arith.index_cast %parallel_loop3A_282 : i32 to index
      %parallel_loop3A_284 = arith.index_cast %parallel_loop3A_281 : i32 to index
      %parallel_loop3A_285 = tpu.vector_load %arg6[%parallel_loop3A_283, %parallel_loop3A_284] {strides = array<i32>} : memref<16x1408xf32, #tpu.memory_space<vmem>>, vector<16xf32>,
      tpu.vector_store %arg6[%parallel_loop3A_283, %parallel_loop3A_284], %broadcast_in_dim3A_12 {strides = array<i32>} : memref<16x1408xf32, #tpu.memory_space<vmem>>, vector<16xf32>,
      %parallel_loop3A_286 = arith.constant 0 : i32
      %parallel_loop3A_287 = arith.addi %parallel_loop3A_69, %parallel_loop3A_286 : i32
      %parallel_loop3A_288 = arith.constant 9 : i32
      %parallel_loop3A_289 = arith.index_cast %parallel_loop3A_288 : i32 to index
      %parallel_loop3A_290 = arith.index_cast %parallel_loop3A_287 : i32 to index
      %parallel_loop3A_291 = tpu.vector_load %arg6[%parallel_loop3A_289, %parallel_loop3A_290] {strides = array<i32>} : memref<16x1408xf32, #tpu.memory_space<vmem>>, vector<16xf32>,
      tpu.vector_store %arg6[%parallel_loop3A_289, %parallel_loop3A_290], %broadcast_in_dim3A_12 {strides = array<i32>} : memref<16x1408xf32, #tpu.memory_space<vmem>>, vector<16xf32>,
      %parallel_loop3A_292 = arith.constant 16 : i32
      %parallel_loop3A_293 = arith.addi %parallel_loop3A_69, %parallel_loop3A_292 : i32
      %parallel_loop3A_294 = arith.constant 9 : i32
      %parallel_loop3A_295 = arith.index_cast %parallel_loop3A_294 : i32 to index
      %parallel_loop3A_296 = arith.index_cast %parallel_loop3A_293 : i32 to index
      %parallel_loop3A_297 = tpu.vector_load %arg6[%parallel_loop3A_295, %parallel_loop3A_296] {strides = array<i32>} : memref<16x1408xf32, #tpu.memory_space<vmem>>, vector<16xf32>,
      tpu.vector_store %arg6[%parallel_loop3A_295, %parallel_loop3A_296], %broadcast_in_dim3A_12 {strides = array<i32>} : memref<16x1408xf32, #tpu.memory_space<vmem>>, vector<16xf32>,
      %parallel_loop3A_298 = arith.constant 32 : i32
      %parallel_loop3A_299 = arith.addi %parallel_loop3A_69, %parallel_loop3A_298 : i32
      %parallel_loop3A_300 = arith.constant 9 : i32
      %parallel_loop3A_301 = arith.index_cast %parallel_loop3A_300 : i32 to index
      %parallel_loop3A_302 = arith.index_cast %parallel_loop3A_299 : i32 to index
      %parallel_loop3A_303 = tpu.vector_load %arg6[%parallel_loop3A_301, %parallel_loop3A_302] {strides = array<i32>} : memref<16x1408xf32, #tpu.memory_space<vmem>>, vector<16xf32>,
      tpu.vector_store %arg6[%parallel_loop3A_301, %parallel_loop3A_302], %broadcast_in_dim3A_12 {strides = array<i32>} : memref<16x1408xf32, #tpu.memory_space<vmem>>, vector<16xf32>,
      %parallel_loop3A_304 = arith.constant 48 : i32
      %parallel_loop3A_305 = arith.addi %parallel_loop3A_69, %parallel_loop3A_304 : i32
      %parallel_loop3A_306 = arith.constant 9 : i32
      %parallel_loop3A_307 = arith.index_cast %parallel_loop3A_306 : i32 to index
      %parallel_loop3A_308 = arith.index_cast %parallel_loop3A_305 : i32 to index
      %parallel_loop3A_309 = tpu.vector_load %arg6[%parallel_loop3A_307, %parallel_loop3A_308] {strides = array<i32>} : memref<16x1408xf32, #tpu.memory_space<vmem>>, vector<16xf32>,
      tpu.vector_store %arg6[%parallel_loop3A_307, %parallel_loop3A_308], %broadcast_in_dim3A_12 {strides = array<i32>} : memref<16x1408xf32, #tpu.memory_space<vmem>>, vector<16xf32>,
      %parallel_loop3A_310 = arith.constant 0 : i32
      %parallel_loop3A_311 = arith.addi %parallel_loop3A_69, %parallel_loop3A_310 : i32
      %parallel_loop3A_312 = arith.constant 10 : i32
      %parallel_loop3A_313 = arith.index_cast %parallel_loop3A_312 : i32 to index
      %parallel_loop3A_314 = arith.index_cast %parallel_loop3A_311 : i32 to index
      %parallel_loop3A_315 = tpu.vector_load %arg6[%parallel_loop3A_313, %parallel_loop3A_314] {strides = array<i32>} : memref<16x1408xf32, #tpu.memory_space<vmem>>, vector<16xf32>,
      tpu.vector_store %arg6[%parallel_loop3A_313, %parallel_loop3A_314], %broadcast_in_dim3A_12 {strides = array<i32>} : memref<16x1408xf32, #tpu.memory_space<vmem>>, vector<16xf32>,
      %parallel_loop3A_316 = arith.constant 16 : i32
      %parallel_loop3A_317 = arith.addi %parallel_loop3A_69, %parallel_loop3A_316 : i32
      %parallel_loop3A_318 = arith.constant 10 : i32
      %parallel_loop3A_319 = arith.index_cast %parallel_loop3A_318 : i32 to index
      %parallel_loop3A_320 = arith.index_cast %parallel_loop3A_317 : i32 to index
      %parallel_loop3A_321 = tpu.vector_load %arg6[%parallel_loop3A_319, %parallel_loop3A_320] {strides = array<i32>} : memref<16x1408xf32, #tpu.memory_space<vmem>>, vector<16xf32>,
      tpu.vector_store %arg6[%parallel_loop3A_319, %parallel_loop3A_320], %broadcast_in_dim3A_12 {strides = array<i32>} : memref<16x1408xf32, #tpu.memory_space<vmem>>, vector<16xf32>,
      %parallel_loop3A_322 = arith.constant 32 : i32
      %parallel_loop3A_323 = arith.addi %parallel_loop3A_69, %parallel_loop3A_322 : i32
      %parallel_loop3A_324 = arith.constant 10 : i32
      %parallel_loop3A_325 = arith.index_cast %parallel_loop3A_324 : i32 to index
      %parallel_loop3A_326 = arith.index_cast %parallel_loop3A_323 : i32 to index
      %parallel_loop3A_327 = tpu.vector_load %arg6[%parallel_loop3A_325, %parallel_loop3A_326] {strides = array<i32>} : memref<16x1408xf32, #tpu.memory_space<vmem>>, vector<16xf32>,
      tpu.vector_store %arg6[%parallel_loop3A_325, %parallel_loop3A_326], %broadcast_in_dim3A_12 {strides = array<i32>} : memref<16x1408xf32, #tpu.memory_space<vmem>>, vector<16xf32>,
      %parallel_loop3A_328 = arith.constant 48 : i32
      %parallel_loop3A_329 = arith.addi %parallel_loop3A_69, %parallel_loop3A_328 : i32
      %parallel_loop3A_330 = arith.constant 10 : i32
      %parallel_loop3A_331 = arith.index_cast %parallel_loop3A_330 : i32 to index
      %parallel_loop3A_332 = arith.index_cast %parallel_loop3A_329 : i32 to index
      %parallel_loop3A_333 = tpu.vector_load %arg6[%parallel_loop3A_331, %parallel_loop3A_332] {strides = array<i32>} : memref<16x1408xf32, #tpu.memory_space<vmem>>, vector<16xf32>,
      tpu.vector_store %arg6[%parallel_loop3A_331, %parallel_loop3A_332], %broadcast_in_dim3A_12 {strides = array<i32>} : memref<16x1408xf32, #tpu.memory_space<vmem>>, vector<16xf32>,
      %parallel_loop3A_334 = arith.constant 0 : i32
      %parallel_loop3A_335 = arith.addi %parallel_loop3A_69, %parallel_loop3A_334 : i32
      %parallel_loop3A_336 = arith.constant 11 : i32
      %parallel_loop3A_337 = arith.index_cast %parallel_loop3A_336 : i32 to index
      %parallel_loop3A_338 = arith.index_cast %parallel_loop3A_335 : i32 to index
      %parallel_loop3A_339 = tpu.vector_load %arg6[%parallel_loop3A_337, %parallel_loop3A_338] {strides = array<i32>} : memref<16x1408xf32, #tpu.memory_space<vmem>>, vector<16xf32>,
      tpu.vector_store %arg6[%parallel_loop3A_337, %parallel_loop3A_338], %broadcast_in_dim3A_12 {strides = array<i32>} : memref<16x1408xf32, #tpu.memory_space<vmem>>, vector<16xf32>,
      %parallel_loop3A_340 = arith.constant 16 : i32
      %parallel_loop3A_341 = arith.addi %parallel_loop3A_69, %parallel_loop3A_340 : i32
      %parallel_loop3A_342 = arith.constant 11 : i32
      %parallel_loop3A_343 = arith.index_cast %parallel_loop3A_342 : i32 to index
      %parallel_loop3A_344 = arith.index_cast %parallel_loop3A_341 : i32 to index
      %parallel_loop3A_345 = tpu.vector_load %arg6[%parallel_loop3A_343, %parallel_loop3A_344] {strides = array<i32>} : memref<16x1408xf32, #tpu.memory_space<vmem>>, vector<16xf32>,
      tpu.vector_store %arg6[%parallel_loop3A_343, %parallel_loop3A_344], %broadcast_in_dim3A_12 {strides = array<i32>} : memref<16x1408xf32, #tpu.memory_space<vmem>>, vector<16xf32>,
      %parallel_loop3A_346 = arith.constant 32 : i32
      %parallel_loop3A_347 = arith.addi %parallel_loop3A_69, %parallel_loop3A_346 : i32
      %parallel_loop3A_348 = arith.constant 11 : i32
      %parallel_loop3A_349 = arith.index_cast %parallel_loop3A_348 : i32 to index
      %parallel_loop3A_350 = arith.index_cast %parallel_loop3A_347 : i32 to index
      %parallel_loop3A_351 = tpu.vector_load %arg6[%parallel_loop3A_349, %parallel_loop3A_350] {strides = array<i32>} : memref<16x1408xf32, #tpu.memory_space<vmem>>, vector<16xf32>,
      tpu.vector_store %arg6[%parallel_loop3A_349, %parallel_loop3A_350], %broadcast_in_dim3A_12 {strides = array<i32>} : memref<16x1408xf32, #tpu.memory_space<vmem>>, vector<16xf32>,
      %parallel_loop3A_352 = arith.constant 48 : i32
      %parallel_loop3A_353 = arith.addi %parallel_loop3A_69, %parallel_loop3A_352 : i32
      %parallel_loop3A_354 = arith.constant 11 : i32
      %parallel_loop3A_355 = arith.index_cast %parallel_loop3A_354 : i32 to index
      %parallel_loop3A_356 = arith.index_cast %parallel_loop3A_353 : i32 to index
      %parallel_loop3A_357 = tpu.vector_load %arg6[%parallel_loop3A_355, %parallel_loop3A_356] {strides = array<i32>} : memref<16x1408xf32, #tpu.memory_space<vmem>>, vector<16xf32>,
      tpu.vector_store %arg6[%parallel_loop3A_355, %parallel_loop3A_356], %broadcast_in_dim3A_12 {strides = array<i32>} : memref<16x1408xf32, #tpu.memory_space<vmem>>, vector<16xf32>,
      %parallel_loop3A_358 = arith.constant 0 : i32
      %parallel_loop3A_359 = arith.addi %parallel_loop3A_69, %parallel_loop3A_358 : i32
      %parallel_loop3A_360 = arith.constant 12 : i32
      %parallel_loop3A_361 = arith.index_cast %parallel_loop3A_360 : i32 to index
      %parallel_loop3A_362 = arith.index_cast %parallel_loop3A_359 : i32 to index
      %parallel_loop3A_363 = tpu.vector_load %arg6[%parallel_loop3A_361, %parallel_loop3A_362] {strides = array<i32>} : memref<16x1408xf32, #tpu.memory_space<vmem>>, vector<16xf32>,
      tpu.vector_store %arg6[%parallel_loop3A_361, %parallel_loop3A_362], %broadcast_in_dim3A_12 {strides = array<i32>} : memref<16x1408xf32, #tpu.memory_space<vmem>>, vector<16xf32>,
      %parallel_loop3A_364 = arith.constant 16 : i32
      %parallel_loop3A_365 = arith.addi %parallel_loop3A_69, %parallel_loop3A_364 : i32
      %parallel_loop3A_366 = arith.constant 12 : i32
      %parallel_loop3A_367 = arith.index_cast %parallel_loop3A_366 : i32 to index
      %parallel_loop3A_368 = arith.index_cast %parallel_loop3A_365 : i32 to index
      %parallel_loop3A_369 = tpu.vector_load %arg6[%parallel_loop3A_367, %parallel_loop3A_368] {strides = array<i32>} : memref<16x1408xf32, #tpu.memory_space<vmem>>, vector<16xf32>,
      tpu.vector_store %arg6[%parallel_loop3A_367, %parallel_loop3A_368], %broadcast_in_dim3A_12 {strides = array<i32>} : memref<16x1408xf32, #tpu.memory_space<vmem>>, vector<16xf32>,
      %parallel_loop3A_370 = arith.constant 32 : i32
      %parallel_loop3A_371 = arith.addi %parallel_loop3A_69, %parallel_loop3A_370 : i32
      %parallel_loop3A_372 = arith.constant 12 : i32
      %parallel_loop3A_373 = arith.index_cast %parallel_loop3A_372 : i32 to index
      %parallel_loop3A_374 = arith.index_cast %parallel_loop3A_371 : i32 to index
      %parallel_loop3A_375 = tpu.vector_load %arg6[%parallel_loop3A_373, %parallel_loop3A_374] {strides = array<i32>} : memref<16x1408xf32, #tpu.memory_space<vmem>>, vector<16xf32>,
      tpu.vector_store %arg6[%parallel_loop3A_373, %parallel_loop3A_374], %broadcast_in_dim3A_12 {strides = array<i32>} : memref<16x1408xf32, #tpu.memory_space<vmem>>, vector<16xf32>,
      %parallel_loop3A_376 = arith.constant 48 : i32
      %parallel_loop3A_377 = arith.addi %parallel_loop3A_69, %parallel_loop3A_376 : i32
      %parallel_loop3A_378 = arith.constant 12 : i32
      %parallel_loop3A_379 = arith.index_cast %parallel_loop3A_378 : i32 to index
      %parallel_loop3A_380 = arith.index_cast %parallel_loop3A_377 : i32 to index
      %parallel_loop3A_381 = tpu.vector_load %arg6[%parallel_loop3A_379, %parallel_loop3A_380] {strides = array<i32>} : memref<16x1408xf32, #tpu.memory_space<vmem>>, vector<16xf32>,
      tpu.vector_store %arg6[%parallel_loop3A_379, %parallel_loop3A_380], %broadcast_in_dim3A_12 {strides = array<i32>} : memref<16x1408xf32, #tpu.memory_space<vmem>>, vector<16xf32>,
      %parallel_loop3A_382 = arith.constant 0 : i32
      %parallel_loop3A_383 = arith.addi %parallel_loop3A_69, %parallel_loop3A_382 : i32
      %parallel_loop3A_384 = arith.constant 13 : i32
      %parallel_loop3A_385 = arith.index_cast %parallel_loop3A_384 : i32 to index
      %parallel_loop3A_386 = arith.index_cast %parallel_loop3A_383 : i32 to index
      %parallel_loop3A_387 = tpu.vector_load %arg6[%parallel_loop3A_385, %parallel_loop3A_386] {strides = array<i32>} : memref<16x1408xf32, #tpu.memory_space<vmem>>, vector<16xf32>,
      tpu.vector_store %arg6[%parallel_loop3A_385, %parallel_loop3A_386], %broadcast_in_dim3A_12 {strides = array<i32>} : memref<16x1408xf32, #tpu.memory_space<vmem>>, vector<16xf32>,
      %parallel_loop3A_388 = arith.constant 16 : i32
      %parallel_loop3A_389 = arith.addi %parallel_loop3A_69, %parallel_loop3A_388 : i32
      %parallel_loop3A_390 = arith.constant 13 : i32
      %parallel_loop3A_391 = arith.index_cast %parallel_loop3A_390 : i32 to index
      %parallel_loop3A_392 = arith.index_cast %parallel_loop3A_389 : i32 to index
      %parallel_loop3A_393 = tpu.vector_load %arg6[%parallel_loop3A_391, %parallel_loop3A_392] {strides = array<i32>} : memref<16x1408xf32, #tpu.memory_space<vmem>>, vector<16xf32>,
      tpu.vector_store %arg6[%parallel_loop3A_391, %parallel_loop3A_392], %broadcast_in_dim3A_12 {strides = array<i32>} : memref<16x1408xf32, #tpu.memory_space<vmem>>, vector<16xf32>,
      %parallel_loop3A_394 = arith.constant 32 : i32
      %parallel_loop3A_395 = arith.addi %parallel_loop3A_69, %parallel_loop3A_394 : i32
      %parallel_loop3A_396 = arith.constant 13 : i32
      %parallel_loop3A_397 = arith.index_cast %parallel_loop3A_396 : i32 to index
      %parallel_loop3A_398 = arith.index_cast %parallel_loop3A_395 : i32 to index
      %parallel_loop3A_399 = tpu.vector_load %arg6[%parallel_loop3A_397, %parallel_loop3A_398] {strides = array<i32>} : memref<16x1408xf32, #tpu.memory_space<vmem>>, vector<16xf32>,
      tpu.vector_store %arg6[%parallel_loop3A_397, %parallel_loop3A_398], %broadcast_in_dim3A_12 {strides = array<i32>} : memref<16x1408xf32, #tpu.memory_space<vmem>>, vector<16xf32>,
      %parallel_loop3A_400 = arith.constant 48 : i32
      %parallel_loop3A_401 = arith.addi %parallel_loop3A_69, %parallel_loop3A_400 : i32
      %parallel_loop3A_402 = arith.constant 13 : i32
      %parallel_loop3A_403 = arith.index_cast %parallel_loop3A_402 : i32 to index
      %parallel_loop3A_404 = arith.index_cast %parallel_loop3A_401 : i32 to index
      %parallel_loop3A_405 = tpu.vector_load %arg6[%parallel_loop3A_403, %parallel_loop3A_404] {strides = array<i32>} : memref<16x1408xf32, #tpu.memory_space<vmem>>, vector<16xf32>,
      tpu.vector_store %arg6[%parallel_loop3A_403, %parallel_loop3A_404], %broadcast_in_dim3A_12 {strides = array<i32>} : memref<16x1408xf32, #tpu.memory_space<vmem>>, vector<16xf32>,
      %parallel_loop3A_406 = arith.constant 0 : i32
      %parallel_loop3A_407 = arith.addi %parallel_loop3A_69, %parallel_loop3A_406 : i32
      %parallel_loop3A_408 = arith.constant 14 : i32
      %parallel_loop3A_409 = arith.index_cast %parallel_loop3A_408 : i32 to index
      %parallel_loop3A_410 = arith.index_cast %parallel_loop3A_407 : i32 to index
      %parallel_loop3A_411 = tpu.vector_load %arg6[%parallel_loop3A_409, %parallel_loop3A_410] {strides = array<i32>} : memref<16x1408xf32, #tpu.memory_space<vmem>>, vector<16xf32>,
      tpu.vector_store %arg6[%parallel_loop3A_409, %parallel_loop3A_410], %broadcast_in_dim3A_12 {strides = array<i32>} : memref<16x1408xf32, #tpu.memory_space<vmem>>, vector<16xf32>,
      %parallel_loop3A_412 = arith.constant 16 : i32
      %parallel_loop3A_413 = arith.addi %parallel_loop3A_69, %parallel_loop3A_412 : i32
      %parallel_loop3A_414 = arith.constant 14 : i32
      %parallel_loop3A_415 = arith.index_cast %parallel_loop3A_414 : i32 to index
      %parallel_loop3A_416 = arith.index_cast %parallel_loop3A_413 : i32 to index
      %parallel_loop3A_417 = tpu.vector_load %arg6[%parallel_loop3A_415, %parallel_loop3A_416] {strides = array<i32>} : memref<16x1408xf32, #tpu.memory_space<vmem>>, vector<16xf32>,
      tpu.vector_store %arg6[%parallel_loop3A_415, %parallel_loop3A_416], %broadcast_in_dim3A_12 {strides = array<i32>} : memref<16x1408xf32, #tpu.memory_space<vmem>>, vector<16xf32>,
      %parallel_loop3A_418 = arith.constant 32 : i32
      %parallel_loop3A_419 = arith.addi %parallel_loop3A_69, %parallel_loop3A_418 : i32
      %parallel_loop3A_420 = arith.constant 14 : i32
      %parallel_loop3A_421 = arith.index_cast %parallel_loop3A_420 : i32 to index
      %parallel_loop3A_422 = arith.index_cast %parallel_loop3A_419 : i32 to index
      %parallel_loop3A_423 = tpu.vector_load %arg6[%parallel_loop3A_421, %parallel_loop3A_422] {strides = array<i32>} : memref<16x1408xf32, #tpu.memory_space<vmem>>, vector<16xf32>,
      tpu.vector_store %arg6[%parallel_loop3A_421, %parallel_loop3A_422], %broadcast_in_dim3A_12 {strides = array<i32>} : memref<16x1408xf32, #tpu.memory_space<vmem>>, vector<16xf32>,
      %parallel_loop3A_424 = arith.constant 48 : i32
      %parallel_loop3A_425 = arith.addi %parallel_loop3A_69, %parallel_loop3A_424 : i32
      %parallel_loop3A_426 = arith.constant 14 : i32
      %parallel_loop3A_427 = arith.index_cast %parallel_loop3A_426 : i32 to index
      %parallel_loop3A_428 = arith.index_cast %parallel_loop3A_425 : i32 to index
      %parallel_loop3A_429 = tpu.vector_load %arg6[%parallel_loop3A_427, %parallel_loop3A_428] {strides = array<i32>} : memref<16x1408xf32, #tpu.memory_space<vmem>>, vector<16xf32>,
      tpu.vector_store %arg6[%parallel_loop3A_427, %parallel_loop3A_428], %broadcast_in_dim3A_12 {strides = array<i32>} : memref<16x1408xf32, #tpu.memory_space<vmem>>, vector<16xf32>,
      %parallel_loop3A_430 = arith.constant 0 : i32
      %parallel_loop3A_431 = arith.addi %parallel_loop3A_69, %parallel_loop3A_430 : i32
      %parallel_loop3A_432 = arith.constant 15 : i32
      %parallel_loop3A_433 = arith.index_cast %parallel_loop3A_432 : i32 to index
      %parallel_loop3A_434 = arith.index_cast %parallel_loop3A_431 : i32 to index
      %parallel_loop3A_435 = tpu.vector_load %arg6[%parallel_loop3A_433, %parallel_loop3A_434] {strides = array<i32>} : memref<16x1408xf32, #tpu.memory_space<vmem>>, vector<16xf32>,
      tpu.vector_store %arg6[%parallel_loop3A_433, %parallel_loop3A_434], %broadcast_in_dim3A_12 {strides = array<i32>} : memref<16x1408xf32, #tpu.memory_space<vmem>>, vector<16xf32>,
      %parallel_loop3A_436 = arith.constant 16 : i32
      %parallel_loop3A_437 = arith.addi %parallel_loop3A_69, %parallel_loop3A_436 : i32
      %parallel_loop3A_438 = arith.constant 15 : i32
      %parallel_loop3A_439 = arith.index_cast %parallel_loop3A_438 : i32 to index
      %parallel_loop3A_440 = arith.index_cast %parallel_loop3A_437 : i32 to index
      %parallel_loop3A_441 = tpu.vector_load %arg6[%parallel_loop3A_439, %parallel_loop3A_440] {strides = array<i32>} : memref<16x1408xf32, #tpu.memory_space<vmem>>, vector<16xf32>,
      tpu.vector_store %arg6[%parallel_loop3A_439, %parallel_loop3A_440], %broadcast_in_dim3A_12 {strides = array<i32>} : memref<16x1408xf32, #tpu.memory_space<vmem>>, vector<16xf32>,
      %parallel_loop3A_442 = arith.constant 32 : i32
      %parallel_loop3A_443 = arith.addi %parallel_loop3A_69, %parallel_loop3A_442 : i32
      %parallel_loop3A_444 = arith.constant 15 : i32
      %parallel_loop3A_445 = arith.index_cast %parallel_loop3A_444 : i32 to index
      %parallel_loop3A_446 = arith.index_cast %parallel_loop3A_443 : i32 to index
      %parallel_loop3A_447 = tpu.vector_load %arg6[%parallel_loop3A_445, %parallel_loop3A_446] {strides = array<i32>} : memref<16x1408xf32, #tpu.memory_space<vmem>>, vector<16xf32>,
      tpu.vector_store %arg6[%parallel_loop3A_445, %parallel_loop3A_446], %broadcast_in_dim3A_12 {strides = array<i32>} : memref<16x1408xf32, #tpu.memory_space<vmem>>, vector<16xf32>,
      %parallel_loop3A_448 = arith.constant 48 : i32
      %parallel_loop3A_449 = arith.addi %parallel_loop3A_69, %parallel_loop3A_448 : i32
      %parallel_loop3A_450 = arith.constant 15 : i32
      %parallel_loop3A_451 = arith.index_cast %parallel_loop3A_450 : i32 to index
      %parallel_loop3A_452 = arith.index_cast %parallel_loop3A_449 : i32 to index
      %parallel_loop3A_453 = tpu.vector_load %arg6[%parallel_loop3A_451, %parallel_loop3A_452] {strides = array<i32>} : memref<16x1408xf32, #tpu.memory_space<vmem>>, vector<16xf32>,
      tpu.vector_store %arg6[%parallel_loop3A_451, %parallel_loop3A_452], %broadcast_in_dim3A_12 {strides = array<i32>} : memref<16x1408xf32, #tpu.memory_space<vmem>>, vector<16xf32>,
    } {sc.loop_unroll_factor = 2 : i64, sc.parallel_access}
    %broadcast_in_dim3A_15 = arith.constant 0.000000e+00 : f32
    %broadcast_in_dim3A_16 = vector.broadcast %broadcast_in_dim3A_15 : f32 to vector<16xf32>
    %parallel_loop3A_17 = arith.constant 0 : i32
    %parallel_loop3A_18 = arith.constant 22 : i32
    %parallel_loop3A_19 = arith.constant 1 : i32
    scf.for %parallel_loop3A_67 = %parallel_loop3A_17 to %parallel_loop3A_18 step %parallel_loop3A_19  : i32 {
      %parallel_loop3A_68 = arith.constant 64 : i32
      %parallel_loop3A_69 = arith.muli %parallel_loop3A_67, %parallel_loop3A_68 : i32
      %parallel_loop3A_70 = arith.constant 0 : i32
      %parallel_loop3A_71 = arith.addi %parallel_loop3A_69, %parallel_loop3A_70 : i32
      %parallel_loop3A_72 = arith.constant 0 : i32
      %parallel_loop3A_73 = arith.index_cast %parallel_loop3A_72 : i32 to index
      %parallel_loop3A_74 = arith.index_cast %parallel_loop3A_71 : i32 to index
      %parallel_loop3A_75 = tpu.vector_load %arg7[%parallel_loop3A_73, %parallel_loop3A_74] {strides = array<i32>} : memref<16x1408xf32, #tpu.memory_space<vmem>>, vector<16xf32>,
      tpu.vector_store %arg7[%parallel_loop3A_73, %parallel_loop3A_74], %broadcast_in_dim3A_16 {strides = array<i32>} : memref<16x1408xf32, #tpu.memory_space<vmem>>, vector<16xf32>,
      %parallel_loop3A_76 = arith.constant 16 : i32
      %parallel_loop3A_77 = arith.addi %parallel_loop3A_69, %parallel_loop3A_76 : i32
      %parallel_loop3A_78 = arith.constant 0 : i32
      %parallel_loop3A_79 = arith.index_cast %parallel_loop3A_78 : i32 to index
      %parallel_loop3A_80 = arith.index_cast %parallel_loop3A_77 : i32 to index
      %parallel_loop3A_81 = tpu.vector_load %arg7[%parallel_loop3A_79, %parallel_loop3A_80] {strides = array<i32>} : memref<16x1408xf32, #tpu.memory_space<vmem>>, vector<16xf32>,
      tpu.vector_store %arg7[%parallel_loop3A_79, %parallel_loop3A_80], %broadcast_in_dim3A_16 {strides = array<i32>} : memref<16x1408xf32, #tpu.memory_space<vmem>>, vector<16xf32>,
      %parallel_loop3A_82 = arith.constant 32 : i32
      %parallel_loop3A_83 = arith.addi %parallel_loop3A_69, %parallel_loop3A_82 : i32
      %parallel_loop3A_84 = arith.constant 0 : i32
      %parallel_loop3A_85 = arith.index_cast %parallel_loop3A_84 : i32 to index
      %parallel_loop3A_86 = arith.index_cast %parallel_loop3A_83 : i32 to index
      %parallel_loop3A_87 = tpu.vector_load %arg7[%parallel_loop3A_85, %parallel_loop3A_86] {strides = array<i32>} : memref<16x1408xf32, #tpu.memory_space<vmem>>, vector<16xf32>,
      tpu.vector_store %arg7[%parallel_loop3A_85, %parallel_loop3A_86], %broadcast_in_dim3A_16 {strides = array<i32>} : memref<16x1408xf32, #tpu.memory_space<vmem>>, vector<16xf32>,
      %parallel_loop3A_88 = arith.constant 48 : i32
      %parallel_loop3A_89 = arith.addi %parallel_loop3A_69, %parallel_loop3A_88 : i32
      %parallel_loop3A_90 = arith.constant 0 : i32
      %parallel_loop3A_91 = arith.index_cast %parallel_loop3A_90 : i32 to index
      %parallel_loop3A_92 = arith.index_cast %parallel_loop3A_89 : i32 to index
      %parallel_loop3A_93 = tpu.vector_load %arg7[%parallel_loop3A_91, %parallel_loop3A_92] {strides = array<i32>} : memref<16x1408xf32, #tpu.memory_space<vmem>>, vector<16xf32>,
      tpu.vector_store %arg7[%parallel_loop3A_91, %parallel_loop3A_92], %broadcast_in_dim3A_16 {strides = array<i32>} : memref<16x1408xf32, #tpu.memory_space<vmem>>, vector<16xf32>,
      %parallel_loop3A_94 = arith.constant 0 : i32
      %parallel_loop3A_95 = arith.addi %parallel_loop3A_69, %parallel_loop3A_94 : i32
      %parallel_loop3A_96 = arith.constant 1 : i32
      %parallel_loop3A_97 = arith.index_cast %parallel_loop3A_96 : i32 to index
      %parallel_loop3A_98 = arith.index_cast %parallel_loop3A_95 : i32 to index
      %parallel_loop3A_99 = tpu.vector_load %arg7[%parallel_loop3A_97, %parallel_loop3A_98] {strides = array<i32>} : memref<16x1408xf32, #tpu.memory_space<vmem>>, vector<16xf32>,
      tpu.vector_store %arg7[%parallel_loop3A_97, %parallel_loop3A_98], %broadcast_in_dim3A_16 {strides = array<i32>} : memref<16x1408xf32, #tpu.memory_space<vmem>>, vector<16xf32>,
      %parallel_loop3A_100 = arith.constant 16 : i32
      %parallel_loop3A_101 = arith.addi %parallel_loop3A_69, %parallel_loop3A_100 : i32
      %parallel_loop3A_102 = arith.constant 1 : i32
      %parallel_loop3A_103 = arith.index_cast %parallel_loop3A_102 : i32 to index
      %parallel_loop3A_104 = arith.index_cast %parallel_loop3A_101 : i32 to index
      %parallel_loop3A_105 = tpu.vector_load %arg7[%parallel_loop3A_103, %parallel_loop3A_104] {strides = array<i32>} : memref<16x1408xf32, #tpu.memory_space<vmem>>, vector<16xf32>,
      tpu.vector_store %arg7[%parallel_loop3A_103, %parallel_loop3A_104], %broadcast_in_dim3A_16 {strides = array<i32>} : memref<16x1408xf32, #tpu.memory_space<vmem>>, vector<16xf32>,
      %parallel_loop3A_106 = arith.constant 32 : i32
      %parallel_loop3A_107 = arith.addi %parallel_loop3A_69, %parallel_loop3A_106 : i32
      %parallel_loop3A_108 = arith.constant 1 : i32
      %parallel_loop3A_109 = arith.index_cast %parallel_loop3A_108 : i32 to index
      %parallel_loop3A_110 = arith.index_cast %parallel_loop3A_107 : i32 to index
      %parallel_loop3A_111 = tpu.vector_load %arg7[%parallel_loop3A_109, %parallel_loop3A_110] {strides = array<i32>} : memref<16x1408xf32, #tpu.memory_space<vmem>>, vector<16xf32>,
      tpu.vector_store %arg7[%parallel_loop3A_109, %parallel_loop3A_110], %broadcast_in_dim3A_16 {strides = array<i32>} : memref<16x1408xf32, #tpu.memory_space<vmem>>, vector<16xf32>,
      %parallel_loop3A_112 = arith.constant 48 : i32
      %parallel_loop3A_113 = arith.addi %parallel_loop3A_69, %parallel_loop3A_112 : i32
      %parallel_loop3A_114 = arith.constant 1 : i32
      %parallel_loop3A_115 = arith.index_cast %parallel_loop3A_114 : i32 to index
      %parallel_loop3A_116 = arith.index_cast %parallel_loop3A_113 : i32 to index
      %parallel_loop3A_117 = tpu.vector_load %arg7[%parallel_loop3A_115, %parallel_loop3A_116] {strides = array<i32>} : memref<16x1408xf32, #tpu.memory_space<vmem>>, vector<16xf32>,
      tpu.vector_store %arg7[%parallel_loop3A_115, %parallel_loop3A_116], %broadcast_in_dim3A_16 {strides = array<i32>} : memref<16x1408xf32, #tpu.memory_space<vmem>>, vector<16xf32>,
      %parallel_loop3A_118 = arith.constant 0 : i32
      %parallel_loop3A_119 = arith.addi %parallel_loop3A_69, %parallel_loop3A_118 : i32
      %parallel_loop3A_120 = arith.constant 2 : i32
      %parallel_loop3A_121 = arith.index_cast %parallel_loop3A_120 : i32 to index
      %parallel_loop3A_122 = arith.index_cast %parallel_loop3A_119 : i32 to index
      %parallel_loop3A_123 = tpu.vector_load %arg7[%parallel_loop3A_121, %parallel_loop3A_122] {strides = array<i32>} : memref<16x1408xf32, #tpu.memory_space<vmem>>, vector<16xf32>,
      tpu.vector_store %arg7[%parallel_loop3A_121, %parallel_loop3A_122], %broadcast_in_dim3A_16 {strides = array<i32>} : memref<16x1408xf32, #tpu.memory_space<vmem>>, vector<16xf32>,
      %parallel_loop3A_124 = arith.constant 16 : i32
      %parallel_loop3A_125 = arith.addi %parallel_loop3A_69, %parallel_loop3A_124 : i32
      %parallel_loop3A_126 = arith.constant 2 : i32
      %parallel_loop3A_127 = arith.index_cast %parallel_loop3A_126 : i32 to index
      %parallel_loop3A_128 = arith.index_cast %parallel_loop3A_125 : i32 to index
      %parallel_loop3A_129 = tpu.vector_load %arg7[%parallel_loop3A_127, %parallel_loop3A_128] {strides = array<i32>} : memref<16x1408xf32, #tpu.memory_space<vmem>>, vector<16xf32>,
      tpu.vector_store %arg7[%parallel_loop3A_127, %parallel_loop3A_128], %broadcast_in_dim3A_16 {strides = array<i32>} : memref<16x1408xf32, #tpu.memory_space<vmem>>, vector<16xf32>,
      %parallel_loop3A_130 = arith.constant 32 : i32
      %parallel_loop3A_131 = arith.addi %parallel_loop3A_69, %parallel_loop3A_130 : i32
      %parallel_loop3A_132 = arith.constant 2 : i32
      %parallel_loop3A_133 = arith.index_cast %parallel_loop3A_132 : i32 to index
      %parallel_loop3A_134 = arith.index_cast %parallel_loop3A_131 : i32 to index
      %parallel_loop3A_135 = tpu.vector_load %arg7[%parallel_loop3A_133, %parallel_loop3A_134] {strides = array<i32>} : memref<16x1408xf32, #tpu.memory_space<vmem>>, vector<16xf32>,
      tpu.vector_store %arg7[%parallel_loop3A_133, %parallel_loop3A_134], %broadcast_in_dim3A_16 {strides = array<i32>} : memref<16x1408xf32, #tpu.memory_space<vmem>>, vector<16xf32>,
      %parallel_loop3A_136 = arith.constant 48 : i32
      %parallel_loop3A_137 = arith.addi %parallel_loop3A_69, %parallel_loop3A_136 : i32
      %parallel_loop3A_138 = arith.constant 2 : i32
      %parallel_loop3A_139 = arith.index_cast %parallel_loop3A_138 : i32 to index
      %parallel_loop3A_140 = arith.index_cast %parallel_loop3A_137 : i32 to index
      %parallel_loop3A_141 = tpu.vector_load %arg7[%parallel_loop3A_139, %parallel_loop3A_140] {strides = array<i32>} : memref<16x1408xf32, #tpu.memory_space<vmem>>, vector<16xf32>,
      tpu.vector_store %arg7[%parallel_loop3A_139, %parallel_loop3A_140], %broadcast_in_dim3A_16 {strides = array<i32>} : memref<16x1408xf32, #tpu.memory_space<vmem>>, vector<16xf32>,
      %parallel_loop3A_142 = arith.constant 0 : i32
      %parallel_loop3A_143 = arith.addi %parallel_loop3A_69, %parallel_loop3A_142 : i32
      %parallel_loop3A_144 = arith.constant 3 : i32
      %parallel_loop3A_145 = arith.index_cast %parallel_loop3A_144 : i32 to index
      %parallel_loop3A_146 = arith.index_cast %parallel_loop3A_143 : i32 to index
      %parallel_loop3A_147 = tpu.vector_load %arg7[%parallel_loop3A_145, %parallel_loop3A_146] {strides = array<i32>} : memref<16x1408xf32, #tpu.memory_space<vmem>>, vector<16xf32>,
      tpu.vector_store %arg7[%parallel_loop3A_145, %parallel_loop3A_146], %broadcast_in_dim3A_16 {strides = array<i32>} : memref<16x1408xf32, #tpu.memory_space<vmem>>, vector<16xf32>,
      %parallel_loop3A_148 = arith.constant 16 : i32
      %parallel_loop3A_149 = arith.addi %parallel_loop3A_69, %parallel_loop3A_148 : i32
      %parallel_loop3A_150 = arith.constant 3 : i32
      %parallel_loop3A_151 = arith.index_cast %parallel_loop3A_150 : i32 to index
      %parallel_loop3A_152 = arith.index_cast %parallel_loop3A_149 : i32 to index
      %parallel_loop3A_153 = tpu.vector_load %arg7[%parallel_loop3A_151, %parallel_loop3A_152] {strides = array<i32>} : memref<16x1408xf32, #tpu.memory_space<vmem>>, vector<16xf32>,
      tpu.vector_store %arg7[%parallel_loop3A_151, %parallel_loop3A_152], %broadcast_in_dim3A_16 {strides = array<i32>} : memref<16x1408xf32, #tpu.memory_space<vmem>>, vector<16xf32>,
      %parallel_loop3A_154 = arith.constant 32 : i32
      %parallel_loop3A_155 = arith.addi %parallel_loop3A_69, %parallel_loop3A_154 : i32
      %parallel_loop3A_156 = arith.constant 3 : i32
      %parallel_loop3A_157 = arith.index_cast %parallel_loop3A_156 : i32 to index
      %parallel_loop3A_158 = arith.index_cast %parallel_loop3A_155 : i32 to index
      %parallel_loop3A_159 = tpu.vector_load %arg7[%parallel_loop3A_157, %parallel_loop3A_158] {strides = array<i32>} : memref<16x1408xf32, #tpu.memory_space<vmem>>, vector<16xf32>,
      tpu.vector_store %arg7[%parallel_loop3A_157, %parallel_loop3A_158], %broadcast_in_dim3A_16 {strides = array<i32>} : memref<16x1408xf32, #tpu.memory_space<vmem>>, vector<16xf32>,
      %parallel_loop3A_160 = arith.constant 48 : i32
      %parallel_loop3A_161 = arith.addi %parallel_loop3A_69, %parallel_loop3A_160 : i32
      %parallel_loop3A_162 = arith.constant 3 : i32
      %parallel_loop3A_163 = arith.index_cast %parallel_loop3A_162 : i32 to index
      %parallel_loop3A_164 = arith.index_cast %parallel_loop3A_161 : i32 to index
      %parallel_loop3A_165 = tpu.vector_load %arg7[%parallel_loop3A_163, %parallel_loop3A_164] {strides = array<i32>} : memref<16x1408xf32, #tpu.memory_space<vmem>>, vector<16xf32>,
      tpu.vector_store %arg7[%parallel_loop3A_163, %parallel_loop3A_164], %broadcast_in_dim3A_16 {strides = array<i32>} : memref<16x1408xf32, #tpu.memory_space<vmem>>, vector<16xf32>,
      %parallel_loop3A_166 = arith.constant 0 : i32
      %parallel_loop3A_167 = arith.addi %parallel_loop3A_69, %parallel_loop3A_166 : i32
      %parallel_loop3A_168 = arith.constant 4 : i32
      %parallel_loop3A_169 = arith.index_cast %parallel_loop3A_168 : i32 to index
      %parallel_loop3A_170 = arith.index_cast %parallel_loop3A_167 : i32 to index
      %parallel_loop3A_171 = tpu.vector_load %arg7[%parallel_loop3A_169, %parallel_loop3A_170] {strides = array<i32>} : memref<16x1408xf32, #tpu.memory_space<vmem>>, vector<16xf32>,
      tpu.vector_store %arg7[%parallel_loop3A_169, %parallel_loop3A_170], %broadcast_in_dim3A_16 {strides = array<i32>} : memref<16x1408xf32, #tpu.memory_space<vmem>>, vector<16xf32>,
      %parallel_loop3A_172 = arith.constant 16 : i32
      %parallel_loop3A_173 = arith.addi %parallel_loop3A_69, %parallel_loop3A_172 : i32
      %parallel_loop3A_174 = arith.constant 4 : i32
      %parallel_loop3A_175 = arith.index_cast %parallel_loop3A_174 : i32 to index
      %parallel_loop3A_176 = arith.index_cast %parallel_loop3A_173 : i32 to index
      %parallel_loop3A_177 = tpu.vector_load %arg7[%parallel_loop3A_175, %parallel_loop3A_176] {strides = array<i32>} : memref<16x1408xf32, #tpu.memory_space<vmem>>, vector<16xf32>,
      tpu.vector_store %arg7[%parallel_loop3A_175, %parallel_loop3A_176], %broadcast_in_dim3A_16 {strides = array<i32>} : memref<16x1408xf32, #tpu.memory_space<vmem>>, vector<16xf32>,
      %parallel_loop3A_178 = arith.constant 32 : i32
      %parallel_loop3A_179 = arith.addi %parallel_loop3A_69, %parallel_loop3A_178 : i32
      %parallel_loop3A_180 = arith.constant 4 : i32
      %parallel_loop3A_181 = arith.index_cast %parallel_loop3A_180 : i32 to index
      %parallel_loop3A_182 = arith.index_cast %parallel_loop3A_179 : i32 to index
      %parallel_loop3A_183 = tpu.vector_load %arg7[%parallel_loop3A_181, %parallel_loop3A_182] {strides = array<i32>} : memref<16x1408xf32, #tpu.memory_space<vmem>>, vector<16xf32>,
      tpu.vector_store %arg7[%parallel_loop3A_181, %parallel_loop3A_182], %broadcast_in_dim3A_16 {strides = array<i32>} : memref<16x1408xf32, #tpu.memory_space<vmem>>, vector<16xf32>,
      %parallel_loop3A_184 = arith.constant 48 : i32
      %parallel_loop3A_185 = arith.addi %parallel_loop3A_69, %parallel_loop3A_184 : i32
      %parallel_loop3A_186 = arith.constant 4 : i32
      %parallel_loop3A_187 = arith.index_cast %parallel_loop3A_186 : i32 to index
      %parallel_loop3A_188 = arith.index_cast %parallel_loop3A_185 : i32 to index
      %parallel_loop3A_189 = tpu.vector_load %arg7[%parallel_loop3A_187, %parallel_loop3A_188] {strides = array<i32>} : memref<16x1408xf32, #tpu.memory_space<vmem>>, vector<16xf32>,
      tpu.vector_store %arg7[%parallel_loop3A_187, %parallel_loop3A_188], %broadcast_in_dim3A_16 {strides = array<i32>} : memref<16x1408xf32, #tpu.memory_space<vmem>>, vector<16xf32>,
      %parallel_loop3A_190 = arith.constant 0 : i32
      %parallel_loop3A_191 = arith.addi %parallel_loop3A_69, %parallel_loop3A_190 : i32
      %parallel_loop3A_192 = arith.constant 5 : i32
      %parallel_loop3A_193 = arith.index_cast %parallel_loop3A_192 : i32 to index
      %parallel_loop3A_194 = arith.index_cast %parallel_loop3A_191 : i32 to index
      %parallel_loop3A_195 = tpu.vector_load %arg7[%parallel_loop3A_193, %parallel_loop3A_194] {strides = array<i32>} : memref<16x1408xf32, #tpu.memory_space<vmem>>, vector<16xf32>,
      tpu.vector_store %arg7[%parallel_loop3A_193, %parallel_loop3A_194], %broadcast_in_dim3A_16 {strides = array<i32>} : memref<16x1408xf32, #tpu.memory_space<vmem>>, vector<16xf32>,
      %parallel_loop3A_196 = arith.constant 16 : i32
      %parallel_loop3A_197 = arith.addi %parallel_loop3A_69, %parallel_loop3A_196 : i32
      %parallel_loop3A_198 = arith.constant 5 : i32
      %parallel_loop3A_199 = arith.index_cast %parallel_loop3A_198 : i32 to index
      %parallel_loop3A_200 = arith.index_cast %parallel_loop3A_197 : i32 to index
      %parallel_loop3A_201 = tpu.vector_load %arg7[%parallel_loop3A_199, %parallel_loop3A_200] {strides = array<i32>} : memref<16x1408xf32, #tpu.memory_space<vmem>>, vector<16xf32>,
      tpu.vector_store %arg7[%parallel_loop3A_199, %parallel_loop3A_200], %broadcast_in_dim3A_16 {strides = array<i32>} : memref<16x1408xf32, #tpu.memory_space<vmem>>, vector<16xf32>,
      %parallel_loop3A_202 = arith.constant 32 : i32
      %parallel_loop3A_203 = arith.addi %parallel_loop3A_69, %parallel_loop3A_202 : i32
      %parallel_loop3A_204 = arith.constant 5 : i32
      %parallel_loop3A_205 = arith.index_cast %parallel_loop3A_204 : i32 to index
      %parallel_loop3A_206 = arith.index_cast %parallel_loop3A_203 : i32 to index
      %parallel_loop3A_207 = tpu.vector_load %arg7[%parallel_loop3A_205, %parallel_loop3A_206] {strides = array<i32>} : memref<16x1408xf32, #tpu.memory_space<vmem>>, vector<16xf32>,
      tpu.vector_store %arg7[%parallel_loop3A_205, %parallel_loop3A_206], %broadcast_in_dim3A_16 {strides = array<i32>} : memref<16x1408xf32, #tpu.memory_space<vmem>>, vector<16xf32>,
      %parallel_loop3A_208 = arith.constant 48 : i32
      %parallel_loop3A_209 = arith.addi %parallel_loop3A_69, %parallel_loop3A_208 : i32
      %parallel_loop3A_210 = arith.constant 5 : i32
      %parallel_loop3A_211 = arith.index_cast %parallel_loop3A_210 : i32 to index
      %parallel_loop3A_212 = arith.index_cast %parallel_loop3A_209 : i32 to index
      %parallel_loop3A_213 = tpu.vector_load %arg7[%parallel_loop3A_211, %parallel_loop3A_212] {strides = array<i32>} : memref<16x1408xf32, #tpu.memory_space<vmem>>, vector<16xf32>,
      tpu.vector_store %arg7[%parallel_loop3A_211, %parallel_loop3A_212], %broadcast_in_dim3A_16 {strides = array<i32>} : memref<16x1408xf32, #tpu.memory_space<vmem>>, vector<16xf32>,
      %parallel_loop3A_214 = arith.constant 0 : i32
      %parallel_loop3A_215 = arith.addi %parallel_loop3A_69, %parallel_loop3A_214 : i32
      %parallel_loop3A_216 = arith.constant 6 : i32
      %parallel_loop3A_217 = arith.index_cast %parallel_loop3A_216 : i32 to index
      %parallel_loop3A_218 = arith.index_cast %parallel_loop3A_215 : i32 to index
      %parallel_loop3A_219 = tpu.vector_load %arg7[%parallel_loop3A_217, %parallel_loop3A_218] {strides = array<i32>} : memref<16x1408xf32, #tpu.memory_space<vmem>>, vector<16xf32>,
      tpu.vector_store %arg7[%parallel_loop3A_217, %parallel_loop3A_218], %broadcast_in_dim3A_16 {strides = array<i32>} : memref<16x1408xf32, #tpu.memory_space<vmem>>, vector<16xf32>,
      %parallel_loop3A_220 = arith.constant 16 : i32
      %parallel_loop3A_221 = arith.addi %parallel_loop3A_69, %parallel_loop3A_220 : i32
      %parallel_loop3A_222 = arith.constant 6 : i32
      %parallel_loop3A_223 = arith.index_cast %parallel_loop3A_222 : i32 to index
      %parallel_loop3A_224 = arith.index_cast %parallel_loop3A_221 : i32 to index
      %parallel_loop3A_225 = tpu.vector_load %arg7[%parallel_loop3A_223, %parallel_loop3A_224] {strides = array<i32>} : memref<16x1408xf32, #tpu.memory_space<vmem>>, vector<16xf32>,
      tpu.vector_store %arg7[%parallel_loop3A_223, %parallel_loop3A_224], %broadcast_in_dim3A_16 {strides = array<i32>} : memref<16x1408xf32, #tpu.memory_space<vmem>>, vector<16xf32>,
      %parallel_loop3A_226 = arith.constant 32 : i32
      %parallel_loop3A_227 = arith.addi %parallel_loop3A_69, %parallel_loop3A_226 : i32
      %parallel_loop3A_228 = arith.constant 6 : i32
      %parallel_loop3A_229 = arith.index_cast %parallel_loop3A_228 : i32 to index
      %parallel_loop3A_230 = arith.index_cast %parallel_loop3A_227 : i32 to index
      %parallel_loop3A_231 = tpu.vector_load %arg7[%parallel_loop3A_229, %parallel_loop3A_230] {strides = array<i32>} : memref<16x1408xf32, #tpu.memory_space<vmem>>, vector<16xf32>,
      tpu.vector_store %arg7[%parallel_loop3A_229, %parallel_loop3A_230], %broadcast_in_dim3A_16 {strides = array<i32>} : memref<16x1408xf32, #tpu.memory_space<vmem>>, vector<16xf32>,
      %parallel_loop3A_232 = arith.constant 48 : i32
      %parallel_loop3A_233 = arith.addi %parallel_loop3A_69, %parallel_loop3A_232 : i32
      %parallel_loop3A_234 = arith.constant 6 : i32
      %parallel_loop3A_235 = arith.index_cast %parallel_loop3A_234 : i32 to index
      %parallel_loop3A_236 = arith.index_cast %parallel_loop3A_233 : i32 to index
      %parallel_loop3A_237 = tpu.vector_load %arg7[%parallel_loop3A_235, %parallel_loop3A_236] {strides = array<i32>} : memref<16x1408xf32, #tpu.memory_space<vmem>>, vector<16xf32>,
      tpu.vector_store %arg7[%parallel_loop3A_235, %parallel_loop3A_236], %broadcast_in_dim3A_16 {strides = array<i32>} : memref<16x1408xf32, #tpu.memory_space<vmem>>, vector<16xf32>,
      %parallel_loop3A_238 = arith.constant 0 : i32
      %parallel_loop3A_239 = arith.addi %parallel_loop3A_69, %parallel_loop3A_238 : i32
      %parallel_loop3A_240 = arith.constant 7 : i32
      %parallel_loop3A_241 = arith.index_cast %parallel_loop3A_240 : i32 to index
      %parallel_loop3A_242 = arith.index_cast %parallel_loop3A_239 : i32 to index
      %parallel_loop3A_243 = tpu.vector_load %arg7[%parallel_loop3A_241, %parallel_loop3A_242] {strides = array<i32>} : memref<16x1408xf32, #tpu.memory_space<vmem>>, vector<16xf32>,
      tpu.vector_store %arg7[%parallel_loop3A_241, %parallel_loop3A_242], %broadcast_in_dim3A_16 {strides = array<i32>} : memref<16x1408xf32, #tpu.memory_space<vmem>>, vector<16xf32>,
      %parallel_loop3A_244 = arith.constant 16 : i32
      %parallel_loop3A_245 = arith.addi %parallel_loop3A_69, %parallel_loop3A_244 : i32
      %parallel_loop3A_246 = arith.constant 7 : i32
      %parallel_loop3A_247 = arith.index_cast %parallel_loop3A_246 : i32 to index
      %parallel_loop3A_248 = arith.index_cast %parallel_loop3A_245 : i32 to index
      %parallel_loop3A_249 = tpu.vector_load %arg7[%parallel_loop3A_247, %parallel_loop3A_248] {strides = array<i32>} : memref<16x1408xf32, #tpu.memory_space<vmem>>, vector<16xf32>,
      tpu.vector_store %arg7[%parallel_loop3A_247, %parallel_loop3A_248], %broadcast_in_dim3A_16 {strides = array<i32>} : memref<16x1408xf32, #tpu.memory_space<vmem>>, vector<16xf32>,
      %parallel_loop3A_250 = arith.constant 32 : i32
      %parallel_loop3A_251 = arith.addi %parallel_loop3A_69, %parallel_loop3A_250 : i32
      %parallel_loop3A_252 = arith.constant 7 : i32
      %parallel_loop3A_253 = arith.index_cast %parallel_loop3A_252 : i32 to index
      %parallel_loop3A_254 = arith.index_cast %parallel_loop3A_251 : i32 to index
      %parallel_loop3A_255 = tpu.vector_load %arg7[%parallel_loop3A_253, %parallel_loop3A_254] {strides = array<i32>} : memref<16x1408xf32, #tpu.memory_space<vmem>>, vector<16xf32>,
      tpu.vector_store %arg7[%parallel_loop3A_253, %parallel_loop3A_254], %broadcast_in_dim3A_16 {strides = array<i32>} : memref<16x1408xf32, #tpu.memory_space<vmem>>, vector<16xf32>,
      %parallel_loop3A_256 = arith.constant 48 : i32
      %parallel_loop3A_257 = arith.addi %parallel_loop3A_69, %parallel_loop3A_256 : i32
      %parallel_loop3A_258 = arith.constant 7 : i32
      %parallel_loop3A_259 = arith.index_cast %parallel_loop3A_258 : i32 to index
      %parallel_loop3A_260 = arith.index_cast %parallel_loop3A_257 : i32 to index
      %parallel_loop3A_261 = tpu.vector_load %arg7[%parallel_loop3A_259, %parallel_loop3A_260] {strides = array<i32>} : memref<16x1408xf32, #tpu.memory_space<vmem>>, vector<16xf32>,
      tpu.vector_store %arg7[%parallel_loop3A_259, %parallel_loop3A_260], %broadcast_in_dim3A_16 {strides = array<i32>} : memref<16x1408xf32, #tpu.memory_space<vmem>>, vector<16xf32>,
      %parallel_loop3A_262 = arith.constant 0 : i32
      %parallel_loop3A_263 = arith.addi %parallel_loop3A_69, %parallel_loop3A_262 : i32
      %parallel_loop3A_264 = arith.constant 8 : i32
      %parallel_loop3A_265 = arith.index_cast %parallel_loop3A_264 : i32 to index
      %parallel_loop3A_266 = arith.index_cast %parallel_loop3A_263 : i32 to index
      %parallel_loop3A_267 = tpu.vector_load %arg7[%parallel_loop3A_265, %parallel_loop3A_266] {strides = array<i32>} : memref<16x1408xf32, #tpu.memory_space<vmem>>, vector<16xf32>,
      tpu.vector_store %arg7[%parallel_loop3A_265, %parallel_loop3A_266], %broadcast_in_dim3A_16 {strides = array<i32>} : memref<16x1408xf32, #tpu.memory_space<vmem>>, vector<16xf32>,
      %parallel_loop3A_268 = arith.constant 16 : i32
      %parallel_loop3A_269 = arith.addi %parallel_loop3A_69, %parallel_loop3A_268 : i32
      %parallel_loop3A_270 = arith.constant 8 : i32
      %parallel_loop3A_271 = arith.index_cast %parallel_loop3A_270 : i32 to index
      %parallel_loop3A_272 = arith.index_cast %parallel_loop3A_269 : i32 to index
      %parallel_loop3A_273 = tpu.vector_load %arg7[%parallel_loop3A_271, %parallel_loop3A_272] {strides = array<i32>} : memref<16x1408xf32, #tpu.memory_space<vmem>>, vector<16xf32>,
      tpu.vector_store %arg7[%parallel_loop3A_271, %parallel_loop3A_272], %broadcast_in_dim3A_16 {strides = array<i32>} : memref<16x1408xf32, #tpu.memory_space<vmem>>, vector<16xf32>,
      %parallel_loop3A_274 = arith.constant 32 : i32
      %parallel_loop3A_275 = arith.addi %parallel_loop3A_69, %parallel_loop3A_274 : i32
      %parallel_loop3A_276 = arith.constant 8 : i32
      %parallel_loop3A_277 = arith.index_cast %parallel_loop3A_276 : i32 to index
      %parallel_loop3A_278 = arith.index_cast %parallel_loop3A_275 : i32 to index
      %parallel_loop3A_279 = tpu.vector_load %arg7[%parallel_loop3A_277, %parallel_loop3A_278] {strides = array<i32>} : memref<16x1408xf32, #tpu.memory_space<vmem>>, vector<16xf32>,
      tpu.vector_store %arg7[%parallel_loop3A_277, %parallel_loop3A_278], %broadcast_in_dim3A_16 {strides = array<i32>} : memref<16x1408xf32, #tpu.memory_space<vmem>>, vector<16xf32>,
      %parallel_loop3A_280 = arith.constant 48 : i32
      %parallel_loop3A_281 = arith.addi %parallel_loop3A_69, %parallel_loop3A_280 : i32
      %parallel_loop3A_282 = arith.constant 8 : i32
      %parallel_loop3A_283 = arith.index_cast %parallel_loop3A_282 : i32 to index
      %parallel_loop3A_284 = arith.index_cast %parallel_loop3A_281 : i32 to index
      %parallel_loop3A_285 = tpu.vector_load %arg7[%parallel_loop3A_283, %parallel_loop3A_284] {strides = array<i32>} : memref<16x1408xf32, #tpu.memory_space<vmem>>, vector<16xf32>,
      tpu.vector_store %arg7[%parallel_loop3A_283, %parallel_loop3A_284], %broadcast_in_dim3A_16 {strides = array<i32>} : memref<16x1408xf32, #tpu.memory_space<vmem>>, vector<16xf32>,
      %parallel_loop3A_286 = arith.constant 0 : i32
      %parallel_loop3A_287 = arith.addi %parallel_loop3A_69, %parallel_loop3A_286 : i32
      %parallel_loop3A_288 = arith.constant 9 : i32
      %parallel_loop3A_289 = arith.index_cast %parallel_loop3A_288 : i32 to index
      %parallel_loop3A_290 = arith.index_cast %parallel_loop3A_287 : i32 to index
      %parallel_loop3A_291 = tpu.vector_load %arg7[%parallel_loop3A_289, %parallel_loop3A_290] {strides = array<i32>} : memref<16x1408xf32, #tpu.memory_space<vmem>>, vector<16xf32>,
      tpu.vector_store %arg7[%parallel_loop3A_289, %parallel_loop3A_290], %broadcast_in_dim3A_16 {strides = array<i32>} : memref<16x1408xf32, #tpu.memory_space<vmem>>, vector<16xf32>,
      %parallel_loop3A_292 = arith.constant 16 : i32
      %parallel_loop3A_293 = arith.addi %parallel_loop3A_69, %parallel_loop3A_292 : i32
      %parallel_loop3A_294 = arith.constant 9 : i32
      %parallel_loop3A_295 = arith.index_cast %parallel_loop3A_294 : i32 to index
      %parallel_loop3A_296 = arith.index_cast %parallel_loop3A_293 : i32 to index
      %parallel_loop3A_297 = tpu.vector_load %arg7[%parallel_loop3A_295, %parallel_loop3A_296] {strides = array<i32>} : memref<16x1408xf32, #tpu.memory_space<vmem>>, vector<16xf32>,
      tpu.vector_store %arg7[%parallel_loop3A_295, %parallel_loop3A_296], %broadcast_in_dim3A_16 {strides = array<i32>} : memref<16x1408xf32, #tpu.memory_space<vmem>>, vector<16xf32>,
      %parallel_loop3A_298 = arith.constant 32 : i32
      %parallel_loop3A_299 = arith.addi %parallel_loop3A_69, %parallel_loop3A_298 : i32
      %parallel_loop3A_300 = arith.constant 9 : i32
      %parallel_loop3A_301 = arith.index_cast %parallel_loop3A_300 : i32 to index
      %parallel_loop3A_302 = arith.index_cast %parallel_loop3A_299 : i32 to index
      %parallel_loop3A_303 = tpu.vector_load %arg7[%parallel_loop3A_301, %parallel_loop3A_302] {strides = array<i32>} : memref<16x1408xf32, #tpu.memory_space<vmem>>, vector<16xf32>,
      tpu.vector_store %arg7[%parallel_loop3A_301, %parallel_loop3A_302], %broadcast_in_dim3A_16 {strides = array<i32>} : memref<16x1408xf32, #tpu.memory_space<vmem>>, vector<16xf32>,
      %parallel_loop3A_304 = arith.constant 48 : i32
      %parallel_loop3A_305 = arith.addi %parallel_loop3A_69, %parallel_loop3A_304 : i32
      %parallel_loop3A_306 = arith.constant 9 : i32
      %parallel_loop3A_307 = arith.index_cast %parallel_loop3A_306 : i32 to index
      %parallel_loop3A_308 = arith.index_cast %parallel_loop3A_305 : i32 to index
      %parallel_loop3A_309 = tpu.vector_load %arg7[%parallel_loop3A_307, %parallel_loop3A_308] {strides = array<i32>} : memref<16x1408xf32, #tpu.memory_space<vmem>>, vector<16xf32>,
      tpu.vector_store %arg7[%parallel_loop3A_307, %parallel_loop3A_308], %broadcast_in_dim3A_16 {strides = array<i32>} : memref<16x1408xf32, #tpu.memory_space<vmem>>, vector<16xf32>,
      %parallel_loop3A_310 = arith.constant 0 : i32
      %parallel_loop3A_311 = arith.addi %parallel_loop3A_69, %parallel_loop3A_310 : i32
      %parallel_loop3A_312 = arith.constant 10 : i32
      %parallel_loop3A_313 = arith.index_cast %parallel_loop3A_312 : i32 to index
      %parallel_loop3A_314 = arith.index_cast %parallel_loop3A_311 : i32 to index
      %parallel_loop3A_315 = tpu.vector_load %arg7[%parallel_loop3A_313, %parallel_loop3A_314] {strides = array<i32>} : memref<16x1408xf32, #tpu.memory_space<vmem>>, vector<16xf32>,
      tpu.vector_store %arg7[%parallel_loop3A_313, %parallel_loop3A_314], %broadcast_in_dim3A_16 {strides = array<i32>} : memref<16x1408xf32, #tpu.memory_space<vmem>>, vector<16xf32>,
      %parallel_loop3A_316 = arith.constant 16 : i32
      %parallel_loop3A_317 = arith.addi %parallel_loop3A_69, %parallel_loop3A_316 : i32
      %parallel_loop3A_318 = arith.constant 10 : i32
      %parallel_loop3A_319 = arith.index_cast %parallel_loop3A_318 : i32 to index
      %parallel_loop3A_320 = arith.index_cast %parallel_loop3A_317 : i32 to index
      %parallel_loop3A_321 = tpu.vector_load %arg7[%parallel_loop3A_319, %parallel_loop3A_320] {strides = array<i32>} : memref<16x1408xf32, #tpu.memory_space<vmem>>, vector<16xf32>,
      tpu.vector_store %arg7[%parallel_loop3A_319, %parallel_loop3A_320], %broadcast_in_dim3A_16 {strides = array<i32>} : memref<16x1408xf32, #tpu.memory_space<vmem>>, vector<16xf32>,
      %parallel_loop3A_322 = arith.constant 32 : i32
      %parallel_loop3A_323 = arith.addi %parallel_loop3A_69, %parallel_loop3A_322 : i32
      %parallel_loop3A_324 = arith.constant 10 : i32
      %parallel_loop3A_325 = arith.index_cast %parallel_loop3A_324 : i32 to index
      %parallel_loop3A_326 = arith.index_cast %parallel_loop3A_323 : i32 to index
      %parallel_loop3A_327 = tpu.vector_load %arg7[%parallel_loop3A_325, %parallel_loop3A_326] {strides = array<i32>} : memref<16x1408xf32, #tpu.memory_space<vmem>>, vector<16xf32>,
      tpu.vector_store %arg7[%parallel_loop3A_325, %parallel_loop3A_326], %broadcast_in_dim3A_16 {strides = array<i32>} : memref<16x1408xf32, #tpu.memory_space<vmem>>, vector<16xf32>,
      %parallel_loop3A_328 = arith.constant 48 : i32
      %parallel_loop3A_329 = arith.addi %parallel_loop3A_69, %parallel_loop3A_328 : i32
      %parallel_loop3A_330 = arith.constant 10 : i32
      %parallel_loop3A_331 = arith.index_cast %parallel_loop3A_330 : i32 to index
      %parallel_loop3A_332 = arith.index_cast %parallel_loop3A_329 : i32 to index
      %parallel_loop3A_333 = tpu.vector_load %arg7[%parallel_loop3A_331, %parallel_loop3A_332] {strides = array<i32>} : memref<16x1408xf32, #tpu.memory_space<vmem>>, vector<16xf32>,
      tpu.vector_store %arg7[%parallel_loop3A_331, %parallel_loop3A_332], %broadcast_in_dim3A_16 {strides = array<i32>} : memref<16x1408xf32, #tpu.memory_space<vmem>>, vector<16xf32>,
      %parallel_loop3A_334 = arith.constant 0 : i32
      %parallel_loop3A_335 = arith.addi %parallel_loop3A_69, %parallel_loop3A_334 : i32
      %parallel_loop3A_336 = arith.constant 11 : i32
      %parallel_loop3A_337 = arith.index_cast %parallel_loop3A_336 : i32 to index
      %parallel_loop3A_338 = arith.index_cast %parallel_loop3A_335 : i32 to index
      %parallel_loop3A_339 = tpu.vector_load %arg7[%parallel_loop3A_337, %parallel_loop3A_338] {strides = array<i32>} : memref<16x1408xf32, #tpu.memory_space<vmem>>, vector<16xf32>,
      tpu.vector_store %arg7[%parallel_loop3A_337, %parallel_loop3A_338], %broadcast_in_dim3A_16 {strides = array<i32>} : memref<16x1408xf32, #tpu.memory_space<vmem>>, vector<16xf32>,
      %parallel_loop3A_340 = arith.constant 16 : i32
      %parallel_loop3A_341 = arith.addi %parallel_loop3A_69, %parallel_loop3A_340 : i32
      %parallel_loop3A_342 = arith.constant 11 : i32
      %parallel_loop3A_343 = arith.index_cast %parallel_loop3A_342 : i32 to index
      %parallel_loop3A_344 = arith.index_cast %parallel_loop3A_341 : i32 to index
      %parallel_loop3A_345 = tpu.vector_load %arg7[%parallel_loop3A_343, %parallel_loop3A_344] {strides = array<i32>} : memref<16x1408xf32, #tpu.memory_space<vmem>>, vector<16xf32>,
      tpu.vector_store %arg7[%parallel_loop3A_343, %parallel_loop3A_344], %broadcast_in_dim3A_16 {strides = array<i32>} : memref<16x1408xf32, #tpu.memory_space<vmem>>, vector<16xf32>,
      %parallel_loop3A_346 = arith.constant 32 : i32
      %parallel_loop3A_347 = arith.addi %parallel_loop3A_69, %parallel_loop3A_346 : i32
      %parallel_loop3A_348 = arith.constant 11 : i32
      %parallel_loop3A_349 = arith.index_cast %parallel_loop3A_348 : i32 to index
      %parallel_loop3A_350 = arith.index_cast %parallel_loop3A_347 : i32 to index
      %parallel_loop3A_351 = tpu.vector_load %arg7[%parallel_loop3A_349, %parallel_loop3A_350] {strides = array<i32>} : memref<16x1408xf32, #tpu.memory_space<vmem>>, vector<16xf32>,
      tpu.vector_store %arg7[%parallel_loop3A_349, %parallel_loop3A_350], %broadcast_in_dim3A_16 {strides = array<i32>} : memref<16x1408xf32, #tpu.memory_space<vmem>>, vector<16xf32>,
      %parallel_loop3A_352 = arith.constant 48 : i32
      %parallel_loop3A_353 = arith.addi %parallel_loop3A_69, %parallel_loop3A_352 : i32
      %parallel_loop3A_354 = arith.constant 11 : i32
      %parallel_loop3A_355 = arith.index_cast %parallel_loop3A_354 : i32 to index
      %parallel_loop3A_356 = arith.index_cast %parallel_loop3A_353 : i32 to index
      %parallel_loop3A_357 = tpu.vector_load %arg7[%parallel_loop3A_355, %parallel_loop3A_356] {strides = array<i32>} : memref<16x1408xf32, #tpu.memory_space<vmem>>, vector<16xf32>,
      tpu.vector_store %arg7[%parallel_loop3A_355, %parallel_loop3A_356], %broadcast_in_dim3A_16 {strides = array<i32>} : memref<16x1408xf32, #tpu.memory_space<vmem>>, vector<16xf32>,
      %parallel_loop3A_358 = arith.constant 0 : i32
      %parallel_loop3A_359 = arith.addi %parallel_loop3A_69, %parallel_loop3A_358 : i32
      %parallel_loop3A_360 = arith.constant 12 : i32
      %parallel_loop3A_361 = arith.index_cast %parallel_loop3A_360 : i32 to index
      %parallel_loop3A_362 = arith.index_cast %parallel_loop3A_359 : i32 to index
      %parallel_loop3A_363 = tpu.vector_load %arg7[%parallel_loop3A_361, %parallel_loop3A_362] {strides = array<i32>} : memref<16x1408xf32, #tpu.memory_space<vmem>>, vector<16xf32>,
      tpu.vector_store %arg7[%parallel_loop3A_361, %parallel_loop3A_362], %broadcast_in_dim3A_16 {strides = array<i32>} : memref<16x1408xf32, #tpu.memory_space<vmem>>, vector<16xf32>,
      %parallel_loop3A_364 = arith.constant 16 : i32
      %parallel_loop3A_365 = arith.addi %parallel_loop3A_69, %parallel_loop3A_364 : i32
      %parallel_loop3A_366 = arith.constant 12 : i32
      %parallel_loop3A_367 = arith.index_cast %parallel_loop3A_366 : i32 to index
      %parallel_loop3A_368 = arith.index_cast %parallel_loop3A_365 : i32 to index
      %parallel_loop3A_369 = tpu.vector_load %arg7[%parallel_loop3A_367, %parallel_loop3A_368] {strides = array<i32>} : memref<16x1408xf32, #tpu.memory_space<vmem>>, vector<16xf32>,
      tpu.vector_store %arg7[%parallel_loop3A_367, %parallel_loop3A_368], %broadcast_in_dim3A_16 {strides = array<i32>} : memref<16x1408xf32, #tpu.memory_space<vmem>>, vector<16xf32>,
      %parallel_loop3A_370 = arith.constant 32 : i32
      %parallel_loop3A_371 = arith.addi %parallel_loop3A_69, %parallel_loop3A_370 : i32
      %parallel_loop3A_372 = arith.constant 12 : i32
      %parallel_loop3A_373 = arith.index_cast %parallel_loop3A_372 : i32 to index
      %parallel_loop3A_374 = arith.index_cast %parallel_loop3A_371 : i32 to index
      %parallel_loop3A_375 = tpu.vector_load %arg7[%parallel_loop3A_373, %parallel_loop3A_374] {strides = array<i32>} : memref<16x1408xf32, #tpu.memory_space<vmem>>, vector<16xf32>,
      tpu.vector_store %arg7[%parallel_loop3A_373, %parallel_loop3A_374], %broadcast_in_dim3A_16 {strides = array<i32>} : memref<16x1408xf32, #tpu.memory_space<vmem>>, vector<16xf32>,
      %parallel_loop3A_376 = arith.constant 48 : i32
      %parallel_loop3A_377 = arith.addi %parallel_loop3A_69, %parallel_loop3A_376 : i32
      %parallel_loop3A_378 = arith.constant 12 : i32
      %parallel_loop3A_379 = arith.index_cast %parallel_loop3A_378 : i32 to index
      %parallel_loop3A_380 = arith.index_cast %parallel_loop3A_377 : i32 to index
      %parallel_loop3A_381 = tpu.vector_load %arg7[%parallel_loop3A_379, %parallel_loop3A_380] {strides = array<i32>} : memref<16x1408xf32, #tpu.memory_space<vmem>>, vector<16xf32>,
      tpu.vector_store %arg7[%parallel_loop3A_379, %parallel_loop3A_380], %broadcast_in_dim3A_16 {strides = array<i32>} : memref<16x1408xf32, #tpu.memory_space<vmem>>, vector<16xf32>,
      %parallel_loop3A_382 = arith.constant 0 : i32
      %parallel_loop3A_383 = arith.addi %parallel_loop3A_69, %parallel_loop3A_382 : i32
      %parallel_loop3A_384 = arith.constant 13 : i32
      %parallel_loop3A_385 = arith.index_cast %parallel_loop3A_384 : i32 to index
      %parallel_loop3A_386 = arith.index_cast %parallel_loop3A_383 : i32 to index
      %parallel_loop3A_387 = tpu.vector_load %arg7[%parallel_loop3A_385, %parallel_loop3A_386] {strides = array<i32>} : memref<16x1408xf32, #tpu.memory_space<vmem>>, vector<16xf32>,
      tpu.vector_store %arg7[%parallel_loop3A_385, %parallel_loop3A_386], %broadcast_in_dim3A_16 {strides = array<i32>} : memref<16x1408xf32, #tpu.memory_space<vmem>>, vector<16xf32>,
      %parallel_loop3A_388 = arith.constant 16 : i32
      %parallel_loop3A_389 = arith.addi %parallel_loop3A_69, %parallel_loop3A_388 : i32
      %parallel_loop3A_390 = arith.constant 13 : i32
      %parallel_loop3A_391 = arith.index_cast %parallel_loop3A_390 : i32 to index
      %parallel_loop3A_392 = arith.index_cast %parallel_loop3A_389 : i32 to index
      %parallel_loop3A_393 = tpu.vector_load %arg7[%parallel_loop3A_391, %parallel_loop3A_392] {strides = array<i32>} : memref<16x1408xf32, #tpu.memory_space<vmem>>, vector<16xf32>,
      tpu.vector_store %arg7[%parallel_loop3A_391, %parallel_loop3A_392], %broadcast_in_dim3A_16 {strides = array<i32>} : memref<16x1408xf32, #tpu.memory_space<vmem>>, vector<16xf32>,
      %parallel_loop3A_394 = arith.constant 32 : i32
      %parallel_loop3A_395 = arith.addi %parallel_loop3A_69, %parallel_loop3A_394 : i32
      %parallel_loop3A_396 = arith.constant 13 : i32
      %parallel_loop3A_397 = arith.index_cast %parallel_loop3A_396 : i32 to index
      %parallel_loop3A_398 = arith.index_cast %parallel_loop3A_395 : i32 to index
      %parallel_loop3A_399 = tpu.vector_load %arg7[%parallel_loop3A_397, %parallel_loop3A_398] {strides = array<i32>} : memref<16x1408xf32, #tpu.memory_space<vmem>>, vector<16xf32>,
      tpu.vector_store %arg7[%parallel_loop3A_397, %parallel_loop3A_398], %broadcast_in_dim3A_16 {strides = array<i32>} : memref<16x1408xf32, #tpu.memory_space<vmem>>, vector<16xf32>,
      %parallel_loop3A_400 = arith.constant 48 : i32
      %parallel_loop3A_401 = arith.addi %parallel_loop3A_69, %parallel_loop3A_400 : i32
      %parallel_loop3A_402 = arith.constant 13 : i32
      %parallel_loop3A_403 = arith.index_cast %parallel_loop3A_402 : i32 to index
      %parallel_loop3A_404 = arith.index_cast %parallel_loop3A_401 : i32 to index
      %parallel_loop3A_405 = tpu.vector_load %arg7[%parallel_loop3A_403, %parallel_loop3A_404] {strides = array<i32>} : memref<16x1408xf32, #tpu.memory_space<vmem>>, vector<16xf32>,
      tpu.vector_store %arg7[%parallel_loop3A_403, %parallel_loop3A_404], %broadcast_in_dim3A_16 {strides = array<i32>} : memref<16x1408xf32, #tpu.memory_space<vmem>>, vector<16xf32>,
      %parallel_loop3A_406 = arith.constant 0 : i32
      %parallel_loop3A_407 = arith.addi %parallel_loop3A_69, %parallel_loop3A_406 : i32
      %parallel_loop3A_408 = arith.constant 14 : i32
      %parallel_loop3A_409 = arith.index_cast %parallel_loop3A_408 : i32 to index
      %parallel_loop3A_410 = arith.index_cast %parallel_loop3A_407 : i32 to index
      %parallel_loop3A_411 = tpu.vector_load %arg7[%parallel_loop3A_409, %parallel_loop3A_410] {strides = array<i32>} : memref<16x1408xf32, #tpu.memory_space<vmem>>, vector<16xf32>,
      tpu.vector_store %arg7[%parallel_loop3A_409, %parallel_loop3A_410], %broadcast_in_dim3A_16 {strides = array<i32>} : memref<16x1408xf32, #tpu.memory_space<vmem>>, vector<16xf32>,
      %parallel_loop3A_412 = arith.constant 16 : i32
      %parallel_loop3A_413 = arith.addi %parallel_loop3A_69, %parallel_loop3A_412 : i32
      %parallel_loop3A_414 = arith.constant 14 : i32
      %parallel_loop3A_415 = arith.index_cast %parallel_loop3A_414 : i32 to index
      %parallel_loop3A_416 = arith.index_cast %parallel_loop3A_413 : i32 to index
      %parallel_loop3A_417 = tpu.vector_load %arg7[%parallel_loop3A_415, %parallel_loop3A_416] {strides = array<i32>} : memref<16x1408xf32, #tpu.memory_space<vmem>>, vector<16xf32>,
      tpu.vector_store %arg7[%parallel_loop3A_415, %parallel_loop3A_416], %broadcast_in_dim3A_16 {strides = array<i32>} : memref<16x1408xf32, #tpu.memory_space<vmem>>, vector<16xf32>,
      %parallel_loop3A_418 = arith.constant 32 : i32
      %parallel_loop3A_419 = arith.addi %parallel_loop3A_69, %parallel_loop3A_418 : i32
      %parallel_loop3A_420 = arith.constant 14 : i32
      %parallel_loop3A_421 = arith.index_cast %parallel_loop3A_420 : i32 to index
      %parallel_loop3A_422 = arith.index_cast %parallel_loop3A_419 : i32 to index
      %parallel_loop3A_423 = tpu.vector_load %arg7[%parallel_loop3A_421, %parallel_loop3A_422] {strides = array<i32>} : memref<16x1408xf32, #tpu.memory_space<vmem>>, vector<16xf32>,
      tpu.vector_store %arg7[%parallel_loop3A_421, %parallel_loop3A_422], %broadcast_in_dim3A_16 {strides = array<i32>} : memref<16x1408xf32, #tpu.memory_space<vmem>>, vector<16xf32>,
      %parallel_loop3A_424 = arith.constant 48 : i32
      %parallel_loop3A_425 = arith.addi %parallel_loop3A_69, %parallel_loop3A_424 : i32
      %parallel_loop3A_426 = arith.constant 14 : i32
      %parallel_loop3A_427 = arith.index_cast %parallel_loop3A_426 : i32 to index
      %parallel_loop3A_428 = arith.index_cast %parallel_loop3A_425 : i32 to index
      %parallel_loop3A_429 = tpu.vector_load %arg7[%parallel_loop3A_427, %parallel_loop3A_428] {strides = array<i32>} : memref<16x1408xf32, #tpu.memory_space<vmem>>, vector<16xf32>,
      tpu.vector_store %arg7[%parallel_loop3A_427, %parallel_loop3A_428], %broadcast_in_dim3A_16 {strides = array<i32>} : memref<16x1408xf32, #tpu.memory_space<vmem>>, vector<16xf32>,
      %parallel_loop3A_430 = arith.constant 0 : i32
      %parallel_loop3A_431 = arith.addi %parallel_loop3A_69, %parallel_loop3A_430 : i32
      %parallel_loop3A_432 = arith.constant 15 : i32
      %parallel_loop3A_433 = arith.index_cast %parallel_loop3A_432 : i32 to index
      %parallel_loop3A_434 = arith.index_cast %parallel_loop3A_431 : i32 to index
      %parallel_loop3A_435 = tpu.vector_load %arg7[%parallel_loop3A_433, %parallel_loop3A_434] {strides = array<i32>} : memref<16x1408xf32, #tpu.memory_space<vmem>>, vector<16xf32>,
      tpu.vector_store %arg7[%parallel_loop3A_433, %parallel_loop3A_434], %broadcast_in_dim3A_16 {strides = array<i32>} : memref<16x1408xf32, #tpu.memory_space<vmem>>, vector<16xf32>,
      %parallel_loop3A_436 = arith.constant 16 : i32
      %parallel_loop3A_437 = arith.addi %parallel_loop3A_69, %parallel_loop3A_436 : i32
      %parallel_loop3A_438 = arith.constant 15 : i32
      %parallel_loop3A_439 = arith.index_cast %parallel_loop3A_438 : i32 to index
      %parallel_loop3A_440 = arith.index_cast %parallel_loop3A_437 : i32 to index
      %parallel_loop3A_441 = tpu.vector_load %arg7[%parallel_loop3A_439, %parallel_loop3A_440] {strides = array<i32>} : memref<16x1408xf32, #tpu.memory_space<vmem>>, vector<16xf32>,
      tpu.vector_store %arg7[%parallel_loop3A_439, %parallel_loop3A_440], %broadcast_in_dim3A_16 {strides = array<i32>} : memref<16x1408xf32, #tpu.memory_space<vmem>>, vector<16xf32>,
      %parallel_loop3A_442 = arith.constant 32 : i32
      %parallel_loop3A_443 = arith.addi %parallel_loop3A_69, %parallel_loop3A_442 : i32
      %parallel_loop3A_444 = arith.constant 15 : i32
      %parallel_loop3A_445 = arith.index_cast %parallel_loop3A_444 : i32 to index
      %parallel_loop3A_446 = arith.index_cast %parallel_loop3A_443 : i32 to index
      %parallel_loop3A_447 = tpu.vector_load %arg7[%parallel_loop3A_445, %parallel_loop3A_446] {strides = array<i32>} : memref<16x1408xf32, #tpu.memory_space<vmem>>, vector<16xf32>,
      tpu.vector_store %arg7[%parallel_loop3A_445, %parallel_loop3A_446], %broadcast_in_dim3A_16 {strides = array<i32>} : memref<16x1408xf32, #tpu.memory_space<vmem>>, vector<16xf32>,
      %parallel_loop3A_448 = arith.constant 48 : i32
      %parallel_loop3A_449 = arith.addi %parallel_loop3A_69, %parallel_loop3A_448 : i32
      %parallel_loop3A_450 = arith.constant 15 : i32
      %parallel_loop3A_451 = arith.index_cast %parallel_loop3A_450 : i32 to index
      %parallel_loop3A_452 = arith.index_cast %parallel_loop3A_449 : i32 to index
      %parallel_loop3A_453 = tpu.vector_load %arg7[%parallel_loop3A_451, %parallel_loop3A_452] {strides = array<i32>} : memref<16x1408xf32, #tpu.memory_space<vmem>>, vector<16xf32>,
      tpu.vector_store %arg7[%parallel_loop3A_451, %parallel_loop3A_452], %broadcast_in_dim3A_16 {strides = array<i32>} : memref<16x1408xf32, #tpu.memory_space<vmem>>, vector<16xf32>,
    } {sc.loop_unroll_factor = 2 : i64, sc.parallel_access}
    %dma_wait3A = tpu.memref_slice %arg2[%mul3A_6] : memref<1357824xi32, #tpu.memory_space<hbm>> -> memref<21216xi32, #tpu.memory_space<hbm>>
    %dma_wait3A_20 = tpu.memref_slice %arg2[%mul3A_6] : memref<1357824xi32, #tpu.memory_space<hbm>> -> memref<21216xi32, #tpu.memory_space<hbm>>
    tpu.wait_dma2 semaphore(%arg8 : memref<!tpu.dma_semaphore, #tpu.memory_space<semaphore_mem>>) src(%dma_wait3A_20 : memref<21216xi32, #tpu.memory_space<hbm>>) dst(%arg4 : memref<21216xi32, #tpu.memory_space<vmem>>)
    %iota3A = tpu.iota {dimensions = array<i32: 0>} : vector<16xi32>
    %mul3A_21 = arith.constant 1326 : i32
    %mul3A_22 = vector.broadcast %mul3A_21 : i32 to vector<16xi32>
    %mul3A_23 = arith.muli %iota3A, %mul3A_22 : vector<16xi32>
    %broadcast_in_dim3A_24 = arith.constant 1.000000e+00 : f32
    %broadcast_in_dim3A_25 = vector.broadcast %broadcast_in_dim3A_24 : f32 to vector<16xf32>
    %broadcast_in_dim3A_26 = arith.constant 0 : i32
    %broadcast_in_dim3A_27 = vector.broadcast %broadcast_in_dim3A_26 : i32 to vector<16xi32>
    %scan3A = arith.constant 0 : i32
    %scan3A_28 = arith.constant 0 : i32
    %scan3A_29 = arith.constant 26 : i32
    %scan3A_30 = arith.addi %scan3A_28, %scan3A_29 : i32
    %scan3A_31 = arith.constant 1 : i32
    %scan3A_32 = scf.for %scan3A_67 = %scan3A_28 to %scan3A_30 step %scan3A_31 iter_args(%scan3A_68 = %scan3A) -> (i32)  : i32 {
      %mul3A_69 = arith.constant 51 : i32
      %mul3A_70 = arith.muli %scan3A_67, %mul3A_69 : i32
      %add3A_71 = vector.broadcast %mul3A_70 : i32 to vector<16xi32>
      %add3A_72 = arith.addi %mul3A_23, %add3A_71 : vector<16xi32>
      %mul3A_73 = arith.constant 50 : i32
      %mul3A_74 = arith.muli %scan3A_67, %mul3A_73 : i32
      %add3A_75 = vector.broadcast %mul3A_74 : i32 to vector<16xi32>
      %add3A_76 = arith.addi %broadcast_in_dim3A_27, %add3A_75 : vector<16xi32>
      %parallel_loop3A_77 = arith.constant 0 : i32
      %parallel_loop3A_78 = arith.constant 50 : i32
      %parallel_loop3A_79 = arith.constant 1 : i32
      scf.for %parallel_loop3A_81 = %parallel_loop3A_77 to %parallel_loop3A_78 step %parallel_loop3A_79  : i32 {
        %parallel_loop3A_82 = vector.broadcast %parallel_loop3A_81 : i32 to vector<16xi32>
        %parallel_loop3A_83 = arith.addi %add3A_72, %parallel_loop3A_82 : vector<16xi32>
        %parallel_loop3A_84 = tpu.vector_load_idx %arg4[%parallel_loop3A_83] : memref<21216xi32, #tpu.memory_space<vmem>>[vector<16xi32>], vector<16xi32>,
        %parallel_loop3A_85 = arith.addi %add3A_76, %parallel_loop3A_84 : vector<16xi32>
        tpu.vector_store_idx %arg6[%iota3A, %parallel_loop3A_85], %broadcast_in_dim3A_25 {add = true} : memref<16x1408xf32, #tpu.memory_space<vmem>>[vector<16xi32>, vector<16xi32>], vector<16xf32>,
      } {sc.loop_unroll_factor = 10 : i64, sc.parallel_access}
      %scan3A_80 = arith.constant 0 : i32
      scf.yield %scan3A_80 : i32
    }
    %scan3A_33 = arith.constant 26 : i32
    %dma_start3A_34 = arith.constant 0 : i32
    %dma_start3A_35 = tpu.memref_slice %arg3[%mul3A_2, %dma_start3A_34] : memref<1024x1408xf32, #tpu.memory_space<hbm>> -> memref<16x1408xf32, #tpu.memory_space<hbm>>
    %dma_start3A_36 = arith.constant 0 : i32
    %dma_start3A_37 = tpu.memref_slice %arg3[%mul3A_2, %dma_start3A_36] : memref<1024x1408xf32, #tpu.memory_space<hbm>> -> memref<16x1408xf32, #tpu.memory_space<hbm>>
    tpu.enqueue_dma source(%arg6 : memref<16x1408xf32, #tpu.memory_space<vmem>>) target(%dma_start3A_37 : memref<16x1408xf32, #tpu.memory_space<hbm>>) target_semaphore(%arg10 : memref<!tpu.dma_semaphore, #tpu.memory_space<semaphore_mem>>)
    %dma_wait3A_38 = tpu.memref_slice %arg2[%mul3A_9] : memref<1357824xi32, #tpu.memory_space<hbm>> -> memref<21216xi32, #tpu.memory_space<hbm>>
    %dma_wait3A_39 = tpu.memref_slice %arg2[%mul3A_9] : memref<1357824xi32, #tpu.memory_space<hbm>> -> memref<21216xi32, #tpu.memory_space<hbm>>
    tpu.wait_dma2 semaphore(%arg9 : memref<!tpu.dma_semaphore, #tpu.memory_space<semaphore_mem>>) src(%dma_wait3A_39 : memref<21216xi32, #tpu.memory_space<hbm>>) dst(%arg5 : memref<21216xi32, #tpu.memory_space<vmem>>)
    %iota3A_40 = tpu.iota {dimensions = array<i32: 0>} : vector<16xi32>
    %mul3A_41 = arith.constant 1326 : i32
    %mul3A_42 = vector.broadcast %mul3A_41 : i32 to vector<16xi32>
    %mul3A_43 = arith.muli %iota3A_40, %mul3A_42 : vector<16xi32>
    %broadcast_in_dim3A_44 = arith.constant 1.000000e+00 : f32
    %broadcast_in_dim3A_45 = vector.broadcast %broadcast_in_dim3A_44 : f32 to vector<16xf32>
    %broadcast_in_dim3A_46 = arith.constant 0 : i32
    %broadcast_in_dim3A_47 = vector.broadcast %broadcast_in_dim3A_46 : i32 to vector<16xi32>
    %scan3A_48 = arith.constant 0 : i32
    %scan3A_49 = arith.constant 0 : i32
    %scan3A_50 = arith.constant 26 : i32
    %scan3A_51 = arith.addi %scan3A_49, %scan3A_50 : i32
    %scan3A_52 = arith.constant 1 : i32
    %scan3A_53 = scf.for %scan3A_67 = %scan3A_49 to %scan3A_51 step %scan3A_52 iter_args(%scan3A_68 = %scan3A_48) -> (i32)  : i32 {
      %mul3A_69 = arith.constant 51 : i32
      %mul3A_70 = arith.muli %scan3A_67, %mul3A_69 : i32
      %add3A_71 = vector.broadcast %mul3A_70 : i32 to vector<16xi32>
      %add3A_72 = arith.addi %mul3A_43, %add3A_71 : vector<16xi32>
      %mul3A_73 = arith.constant 50 : i32
      %mul3A_74 = arith.muli %scan3A_67, %mul3A_73 : i32
      %add3A_75 = vector.broadcast %mul3A_74 : i32 to vector<16xi32>
      %add3A_76 = arith.addi %broadcast_in_dim3A_47, %add3A_75 : vector<16xi32>
      %parallel_loop3A_77 = arith.constant 0 : i32
      %parallel_loop3A_78 = arith.constant 50 : i32
      %parallel_loop3A_79 = arith.constant 1 : i32
      scf.for %parallel_loop3A_81 = %parallel_loop3A_77 to %parallel_loop3A_78 step %parallel_loop3A_79  : i32 {
        %parallel_loop3A_82 = vector.broadcast %parallel_loop3A_81 : i32 to vector<16xi32>
        %parallel_loop3A_83 = arith.addi %add3A_72, %parallel_loop3A_82 : vector<16xi32>
        %parallel_loop3A_84 = tpu.vector_load_idx %arg5[%parallel_loop3A_83] : memref<21216xi32, #tpu.memory_space<vmem>>[vector<16xi32>], vector<16xi32>,
        %parallel_loop3A_85 = arith.addi %add3A_76, %parallel_loop3A_84 : vector<16xi32>
        tpu.vector_store_idx %arg7[%iota3A_40, %parallel_loop3A_85], %broadcast_in_dim3A_45 {add = true} : memref<16x1408xf32, #tpu.memory_space<vmem>>[vector<16xi32>, vector<16xi32>], vector<16xf32>,
      } {sc.loop_unroll_factor = 10 : i64, sc.parallel_access}
      %scan3A_80 = arith.constant 0 : i32
      scf.yield %scan3A_80 : i32
    }
    %scan3A_54 = arith.constant 26 : i32
    %dma_start3A_55 = arith.constant 0 : i32
    %dma_start3A_56 = tpu.memref_slice %arg3[%add3A_4, %dma_start3A_55] : memref<1024x1408xf32, #tpu.memory_space<hbm>> -> memref<16x1408xf32, #tpu.memory_space<hbm>>
    %dma_start3A_57 = arith.constant 0 : i32
    %dma_start3A_58 = tpu.memref_slice %arg3[%add3A_4, %dma_start3A_57] : memref<1024x1408xf32, #tpu.memory_space<hbm>> -> memref<16x1408xf32, #tpu.memory_space<hbm>>
    tpu.enqueue_dma source(%arg7 : memref<16x1408xf32, #tpu.memory_space<vmem>>) target(%dma_start3A_58 : memref<16x1408xf32, #tpu.memory_space<hbm>>) target_semaphore(%arg11 : memref<!tpu.dma_semaphore, #tpu.memory_space<semaphore_mem>>)
    %dma_wait3A_59 = arith.constant 0 : i32
    %dma_wait3A_60 = tpu.memref_slice %arg3[%mul3A_2, %dma_wait3A_59] : memref<1024x1408xf32, #tpu.memory_space<hbm>> -> memref<16x1408xf32, #tpu.memory_space<hbm>>
    %dma_wait3A_61 = arith.constant 0 : i32
    %dma_wait3A_62 = tpu.memref_slice %arg3[%mul3A_2, %dma_wait3A_61] : memref<1024x1408xf32, #tpu.memory_space<hbm>> -> memref<16x1408xf32, #tpu.memory_space<hbm>>
    tpu.wait_dma2 semaphore(%arg10 : memref<!tpu.dma_semaphore, #tpu.memory_space<semaphore_mem>>) src(%arg6 : memref<16x1408xf32, #tpu.memory_space<vmem>>) dst(%dma_wait3A_62 : memref<16x1408xf32, #tpu.memory_space<hbm>>)
    %dma_wait3A_63 = arith.constant 0 : i32
    %dma_wait3A_64 = tpu.memref_slice %arg3[%add3A_4, %dma_wait3A_63] : memref<1024x1408xf32, #tpu.memory_space<hbm>> -> memref<16x1408xf32, #tpu.memory_space<hbm>>
    %dma_wait3A_65 = arith.constant 0 : i32
    %dma_wait3A_66 = tpu.memref_slice %arg3[%add3A_4, %dma_wait3A_65] : memref<1024x1408xf32, #tpu.memory_space<hbm>> -> memref<16x1408xf32, #tpu.memory_space<hbm>>
    tpu.wait_dma2 semaphore(%arg11 : memref<!tpu.dma_semaphore, #tpu.memory_space<semaphore_mem>>) src(%arg7 : memref<16x1408xf32, #tpu.memory_space<vmem>>) dst(%dma_wait3A_66 : memref<16x1408xf32, #tpu.memory_space<hbm>>)
    return
  }
}

module attributes {stable_mosaic.version = 14 : i64} {
  func.func @_tc_body(%arg0: i32, %arg1: memref<256x1408xf32, #tpu.memory_space<vmem>>, %arg2: memref<1408x32xf32, #tpu.memory_space<vmem>>, %arg3: memref<1408x1xf32, #tpu.memory_space<vmem>>, %arg4: memref<1408x1xf32, #tpu.memory_space<vmem>>, %arg5: memref<256x13xf32, #tpu.memory_space<vmem>>, %arg6: memref<13x1xf32, #tpu.memory_space<vmem>>, %arg7: memref<1x1xf32, #tpu.memory_space<vmem>>, %arg8: memref<256x1xf32, #tpu.memory_space<vmem>>) attributes {dimension_semantics = [#tpu.dimension_semantics<arbitrary>], iteration_bounds = array<i64: 4>, scalar_prefetch = 0 : i64, scratch_operands = 0 : i64, tpu.core_type = #tpu.core_type<tc>, window_params = [{transform_indices = @transform_0, window_bounds = array<i64: 256, 1408>}, {pipeline_mode = #tpu.pipeline_mode<synchronous>, transform_indices = @transform_1, window_bounds = array<i64: 1408, 32>}, {pipeline_mode = #tpu.pipeline_mode<synchronous>, transform_indices = @transform_2, window_bounds = array<i64: 1408, 1>}, {pipeline_mode = #tpu.pipeline_mode<synchronous>, transform_indices = @transform_3, window_bounds = array<i64: 1408, 1>}, {transform_indices = @transform_4, window_bounds = array<i64: 256, 13>}, {pipeline_mode = #tpu.pipeline_mode<synchronous>, transform_indices = @transform_5, window_bounds = array<i64: 13, 1>}, {pipeline_mode = #tpu.pipeline_mode<synchronous>, transform_indices = @transform_6, window_bounds = array<i64: 1, 1>}, {transform_indices = @transform_7, window_bounds = array<i64: 256, 1>}]} {
    %get3A = arith.constant 0 : index
    %get3A_0 = arith.constant 0 : index
    %get3A_1 = vector.load %arg1[%get3A, %get3A_0] : memref<256x1408xf32, #tpu.memory_space<vmem>>, vector<256x1408xf32>
    %get3A_2 = arith.constant 0 : index
    %get3A_3 = arith.constant 0 : index
    %get3A_4 = vector.load %arg2[%get3A_2, %get3A_3] : memref<1408x32xf32, #tpu.memory_space<vmem>>, vector<1408x32xf32>
    %mul3A = arith.mulf %get3A_4, %get3A_4 : vector<1408x32xf32>
    %reduce_sum3A = arith.constant dense<0.000000e+00> : vector<1408xf32>
    %reduce_sum3A_5 = vector.multi_reduction <add>, %mul3A, %reduce_sum3A [1] : vector<1408x32xf32> to vector<1408xf32>
    %broadcast_in_dim3A = vector.shape_cast %reduce_sum3A_5 : vector<1408xf32> to vector<1408x1xf32>
    %get3A_6 = arith.constant 0 : index
    %get3A_7 = arith.constant 0 : index
    %get3A_8 = vector.load %arg3[%get3A_6, %get3A_7] : memref<1408x1xf32, #tpu.memory_space<vmem>>, vector<1408x1xf32>
    %get3A_9 = arith.constant 0 : index
    %get3A_10 = arith.constant 0 : index
    %get3A_11 = vector.load %arg4[%get3A_9, %get3A_10] : memref<1408x1xf32, #tpu.memory_space<vmem>>, vector<1408x1xf32>
    %mul3A_12 = arith.mulf %get3A_8, %get3A_11 : vector<1408x1xf32>
    %concatenate3A = tpu.concatenate %get3A_4, %broadcast_in_dim3A, %mul3A_12 in 1 : vector<1408x32xf32>, vector<1408x1xf32>, vector<1408x1xf32> -> vector<1408x34xf32>
    %dot_general3A = arith.constant dense<0.000000e+00> : vector<256x34xf32>
    %dot_general3A_13 = tpu.matmul %get3A_1, %concatenate3A, %dot_general3A {dimension_numbers = #tpu.dot_dimension_numbers<[1], [0], [0], [1], [0, 0, 1, 1], [], []>, transpose_lhs_hint = false} : vector<256x1408xf32>, vector<1408x34xf32>, vector<256x34xf32> -> vector<256x34xf32>
    %slice3A = vector.extract_strided_slice %dot_general3A_13 {offsets = [0, 0], sizes = [256, 32], strides = [1, 1]} : vector<256x34xf32> to vector<256x32xf32>
    %mul3A_14 = arith.mulf %slice3A, %slice3A : vector<256x32xf32>
    %reduce_sum3A_15 = arith.constant dense<0.000000e+00> : vector<256xf32>
    %reduce_sum3A_16 = vector.multi_reduction <add>, %mul3A_14, %reduce_sum3A_15 [1] : vector<256x32xf32> to vector<256xf32>
    %broadcast_in_dim3A_17 = vector.shape_cast %reduce_sum3A_16 : vector<256xf32> to vector<256x1xf32>
    %slice3A_18 = vector.extract_strided_slice %dot_general3A_13 {offsets = [0, 32], sizes = [256, 1], strides = [1, 1]} : vector<256x34xf32> to vector<256x1xf32>
    %slice3A_19 = vector.extract_strided_slice %dot_general3A_13 {offsets = [0, 33], sizes = [256, 1], strides = [1, 1]} : vector<256x34xf32> to vector<256x1xf32>
    %get3A_20 = arith.constant 0 : index
    %get3A_21 = arith.constant 0 : index
    %get3A_22 = vector.load %arg5[%get3A_20, %get3A_21] : memref<256x13xf32, #tpu.memory_space<vmem>>, vector<256x13xf32>
    %get3A_23 = arith.constant 0 : index
    %get3A_24 = arith.constant 0 : index
    %get3A_25 = vector.load %arg6[%get3A_23, %get3A_24] : memref<13x1xf32, #tpu.memory_space<vmem>>, vector<13x1xf32>
    %dot_general3A_26 = arith.constant dense<0.000000e+00> : vector<256x1xf32>
    %dot_general3A_27 = tpu.matmul %get3A_22, %get3A_25, %dot_general3A_26 {dimension_numbers = #tpu.dot_dimension_numbers<[1], [0], [0], [1], [0, 0, 1, 1], [], []>, transpose_lhs_hint = false} : vector<256x13xf32>, vector<13x1xf32>, vector<256x1xf32> -> vector<256x1xf32>
    %add3A = arith.addf %slice3A_19, %dot_general3A_27 : vector<256x1xf32>
    %get3A_28 = arith.constant 0 : index
    %get3A_29 = arith.constant 0 : index
    %get3A_30 = vector.load %arg7[%get3A_28, %get3A_29] : memref<1x1xf32, #tpu.memory_space<vmem>>, vector<1x1xf32>
    %get3A_31 = vector.extract %get3A_30[0, 0] : f32 from vector<1x1xf32>
    %add3A_32 = vector.broadcast %get3A_31 : f32 to vector<256x1xf32>
    %add3A_33 = arith.addf %add3A, %add3A_32 : vector<256x1xf32>
    %sub3A = arith.subf %broadcast_in_dim3A_17, %slice3A_18 : vector<256x1xf32>
    %mul3A_34 = arith.constant 5.000000e-01 : f32
    %mul3A_35 = vector.broadcast %mul3A_34 : f32 to vector<256x1xf32>
    %mul3A_36 = arith.mulf %mul3A_35, %sub3A : vector<256x1xf32>
    %add3A_37 = arith.addf %add3A_33, %mul3A_36 : vector<256x1xf32>
    %swap3A = arith.constant 0 : index
    %swap3A_38 = arith.constant 0 : index
    %swap3A_39 = vector.load %arg8[%swap3A, %swap3A_38] : memref<256x1xf32, #tpu.memory_space<vmem>>, vector<256x1xf32>
    tpu.vector_store %arg8[%swap3A, %swap3A_38], %add3A_37 {strides = array<i32>} : memref<256x1xf32, #tpu.memory_space<vmem>>, vector<256x1xf32>,
    return
  }
  func.func @transform_0(%arg0: i32) -> (i32, i32) {
    %c0_i32 = arith.constant 0 : i32
    %c0_i32_0 = arith.constant 0 : i32
    return %arg0, %c0_i32 : i32, i32
  }
  func.func @transform_1(%arg0: i32) -> (i32, i32) {
    %c0_i32 = arith.constant 0 : i32
    %c0_i32_0 = arith.constant 0 : i32
    %c0_i32_1 = arith.constant 0 : i32
    return %c0_i32, %c0_i32_0 : i32, i32
  }
  func.func @transform_2(%arg0: i32) -> (i32, i32) {
    %c0_i32 = arith.constant 0 : i32
    %c0_i32_0 = arith.constant 0 : i32
    %c0_i32_1 = arith.constant 0 : i32
    return %c0_i32, %c0_i32_0 : i32, i32
  }
  func.func @transform_3(%arg0: i32) -> (i32, i32) {
    %c0_i32 = arith.constant 0 : i32
    %c0_i32_0 = arith.constant 0 : i32
    %c0_i32_1 = arith.constant 0 : i32
    return %c0_i32, %c0_i32_0 : i32, i32
  }
  func.func @transform_4(%arg0: i32) -> (i32, i32) {
    %c0_i32 = arith.constant 0 : i32
    %c0_i32_0 = arith.constant 0 : i32
    return %arg0, %c0_i32 : i32, i32
  }
  func.func @transform_5(%arg0: i32) -> (i32, i32) {
    %c0_i32 = arith.constant 0 : i32
    %c0_i32_0 = arith.constant 0 : i32
    %c0_i32_1 = arith.constant 0 : i32
    return %c0_i32, %c0_i32_0 : i32, i32
  }
  func.func @transform_6(%arg0: i32) -> (i32, i32) {
    %c0_i32 = arith.constant 0 : i32
    %c0_i32_0 = arith.constant 0 : i32
    %c0_i32_1 = arith.constant 0 : i32
    return %c0_i32, %c0_i32_0 : i32, i32
  }
  func.func @transform_7(%arg0: i32) -> (i32, i32) {
    %c0_i32 = arith.constant 0 : i32
    %c0_i32_0 = arith.constant 0 : i32
    return %arg0, %c0_i32 : i32, i32
  }
}

</mosaic_0001>

<sc_bundles>
// kernel: kernel.4.cloned.1.call-start
scs
__scs_entry_jumppad:
0x0: {  	(pc) =	sbr.rel $0x88, $3  }
0x1: {  	(tag) =	ssettag $0x0;
	lr =	simm.s32 $0x1  }
0x2: {  	[smem:$0x3F9B] =	sst lr;
	_ =	strace $0xD0000000  }
0x3: {  	_ = 	snop  }
0x4: {  	_ = 	snop  }
0x5: {  	_ = 	snop  }
0x6: {  	_ = 	snop  }
0x7: {  	_ = 	snop  }
__scs_overlays_trampoline_lowered:
0x8: {  	[smem:$0x3FAA] =	sst s0  }
0x9: {  	[smem:$0x3FAB] =	sst s1  }
0xa: {  	[smem:$0x3FAC] =	sst s2  }
0xb: {  	[smem:$0x3FAD] =	sst s3  }
0xc: {  	[smem:$0x3FAE] =	sst s4  }
0xd: {  	[smem:$0x3FAF] =	sst s5  }
0xe: {  	[smem:$0x3FB0] =	sst s6  }
0xf: {  	[smem:$0x3FB1] =	sst s7  }
0x10: {  	[smem:$0x3FB2] =	sst s8  }
0x11: {  	[smem:$0x3FB3] =	sst s9;
	s0 =	simm.s32 @!p0 $0x0  }
0x12: {  	s1 =	sld [smem:$0x3F99];
	s0 =	simm.s32 @p0 $0x1  }
0x13: {  	[smem:$0x3FB4] =	sst s0;
	s0 =	simm.s32 @!p1 $0x0  }
0x14: {  	s2 =	sld [smem:$0x3F98];
	s0 =	simm.s32 @p1 $0x1  }
0x15: {  	[smem:$0x3FB5] =	sst s0;
	s0 =	simm.s32 @!p2 $0x0  }
0x16: {  	s3 =	sld [smem:$0x3FDB];
	s0 =	simm.s32 @p2 $0x1  }
0x17: {  	s4 =	simm.s32 $0x1BF5;
	[smem:$0x3FB7] =	sst s0  }
0x18: {  	s0 =	sld [smem:$0x3F9A];
	_ =	swait.ge [sflag:s4], $0x0  }
0x19: {  	s7 =	sld [smem:$0x3F9B]  }
0x1a: {  	s8 =	sadd.s32 $0xFFFFE003, lr  }
0x1b: {  	s9 =	sadd.s32 $0xFFFFFEF7, lr;
	s5 =	simm.s32 $0xFFFFFFFF;
	p2 =	slt.u32 s8, $0xFFFFF086  }
0x1c: {  	p1 =	slt.u32 s9, $0xF7A;
	s5 =	simm.s32 @!p2 $0x0  }
0x1d: {  	s5 =	simm.s32 @p1 $0x1;
	p0 =	seq.s32 s7, s2  }
0x1e: {  	s7 =	smul.u32 @!p0 $0xF7A, s2;
	p2 =	seq.s32 @!p0 s5, $0x0  }
0x1f: {  	s9 =	smul.u32 $0xF7A, s1;
	s8 =	simm.s32 @!p0 $0x1BF5;
	p2 =	por !p2, p0  }
0x20: {  	[sflag:s8] =	ssyncset.s32 @!p0 $0xFFFFF086;
	s6 =	sadd.s32 @!p0 s3, s7;
	s7 =	simm.s32 @!p0 $0x108  }
0x21: {  	s3 =	sadd.s32 s3, s9;
	s6 =	sadd.s32 @!p0 $0x88, s6;
	s7 =	simm.s32 @p2 $0x1082  }
0x22: {  	[simem:s7], [sflag:s8] =	dma.local @!p0 [hbm:s6], $0xF7A  }
0x23: {  	s9 =	sor.u32 $0xD0000000, s2;
	s6 =	simm.s32 $0x108;
	_ =	swait.ge @!p0 [sflag:s8], $0x0  }
0x24: {  	s3 =	sadd.s32 $0x88, s3;
	s6 =	simm.s32 @!p1 $0x1082;
	[sflag:s4] =	ssyncset.s32 $0xFFFFF086  }
0x25: {  	[simem:s6], [sflag:s4] =	dma.local [hbm:s3], $0xF7A  }
0x26: {  	[smem:$0x3F9B] =	sst s1;
	(tag) =	ssettag s2;
	_ =	strace s9  }
0x27: {  	s1 =	sld [smem:$0x3FAB]  }
0x28: {  	s2 =	sld [smem:$0x3FAC]  }
0x29: {  	s4 =	sld [smem:$0x3FAE]  }
0x2a: {  	p0 =	seq.s32 s5, $0x0;
	s5 =	sld [smem:$0x3FAF]  }
0x2b: {  	s6 =	sld [smem:$0x3FB0]  }
0x2c: {  	s7 =	sld [smem:$0x3FB1]  }
0x2d: {  	s3 =	simm.s32 $0x108;
	s8 =	sld [smem:$0x3FB2]  }
0x2e: {  	s3 =	simm.s32 @!p0 $0x1082;
	s9 =	sld [smem:$0x3FB3]  }
0x2f: {  	lr =	sadd.s32 s0, s3;
	s0 =	sld [smem:$0x3FAA]  }
0x30: {  	s3 =	sld [smem:$0x3FAD]  }
0x31: {  	[smem:$0x3FB6] =	sst s10  }
0x32: {  	s10 =	sld [smem:$0x3FB4];
	_ =	sdelay $0x3  }
0x33: {  	p0 =	seq.s32 s10, $0x1;
	s10 =	sld [smem:$0x3FB6];
	_ =	sdelay $0x3  }
0x34: {  	[smem:$0x3FB6] =	sst s10  }
0x35: {  	s10 =	sld [smem:$0x3FB5];
	_ =	sdelay $0x3  }
0x36: {  	p1 =	seq.s32 s10, $0x1;
	s10 =	sld [smem:$0x3FB6];
	_ =	sdelay $0x3  }
0x37: {  	[smem:$0x3FB6] =	sst s10  }
0x38: {  	s10 =	sld [smem:$0x3FB7]  }
0x39: {  	_ = 	snop;
	(pc) =	sbr.ind lr, $3  }
0x3a: {  	_ = 	snop  }
0x3b: {  	_ = 	snop  }
0x3c: {  	p2 =	seq.s32 s10, $0x1;
	s10 =	sld [smem:$0x3FB6]  }
0x3d: {  	_ =	shalt  }
0x3e: {  	_ =	shalt  }
0x3f: {  	_ =	shalt  }
0x40: {  	_ =	shalt  }
0x41: {  	_ =	shalt  }
0x42: {  	_ =	shalt  }
0x43: {  	_ =	shalt  }
0x44: {  	_ =	shalt  }
0x45: {  	_ =	shalt  }
0x46: {  	_ =	shalt  }
0x47: {  	_ =	shalt  }
0x48: {  	_ =	shalt  }
0x49: {  	_ =	shalt  }
0x4a: {  	_ =	shalt  }
0x4b: {  	_ =	shalt  }
0x4c: {  	_ =	shalt  }
0x4d: {  	_ =	shalt  }
0x4e: {  	_ =	shalt  }
0x4f: {  	_ =	shalt  }
0x50: {  	_ =	shalt  }
0x51: {  	_ =	shalt  }
0x52: {  	_ =	shalt  }
0x53: {  	_ =	shalt  }
0x54: {  	_ =	shalt  }
0x55: {  	_ =	shalt  }
0x56: {  	_ =	shalt  }
0x57: {  	_ =	shalt  }
0x58: {  	_ =	shalt  }
0x59: {  	_ =	shalt  }
0x5a: {  	_ =	shalt  }
0x5b: {  	_ =	shalt  }
0x5c: {  	_ =	shalt  }
0x5d: {  	_ =	shalt  }
0x5e: {  	_ =	shalt  }
0x5f: {  	_ =	shalt  }
0x60: {  	_ =	shalt  }
0x61: {  	_ =	shalt  }
0x62: {  	_ =	shalt  }
0x63: {  	_ =	shalt  }
0x64: {  	_ =	shalt  }
0x65: {  	_ =	shalt  }
0x66: {  	_ =	shalt  }
0x67: {  	_ =	shalt  }
0x68: {  	_ =	shalt  }
0x69: {  	_ =	shalt  }
0x6a: {  	_ =	shalt  }
0x6b: {  	_ =	shalt  }
0x6c: {  	_ =	shalt  }
0x6d: {  	_ =	shalt  }
0x6e: {  	_ =	shalt  }
0x6f: {  	_ =	shalt  }
0x70: {  	_ =	shalt  }
0x71: {  	_ =	shalt  }
0x72: {  	_ =	shalt  }
0x73: {  	_ =	shalt  }
0x74: {  	_ =	shalt  }
0x75: {  	_ =	shalt  }
0x76: {  	_ =	shalt  }
0x77: {  	_ =	shalt  }
0x78: {  	_ =	shalt  }
0x79: {  	_ =	shalt  }
0x7a: {  	_ =	shalt  }
0x7b: {  	_ =	shalt  }
0x7c: {  	_ =	shalt  }
0x7d: {  	_ =	shalt  }
0x7e: {  	_ =	shalt  }
0x7f: {  	_ =	shalt  }
0x80: {  	_ =	shalt  }
0x81: {  	_ =	shalt  }
0x82: {  	_ =	shalt  }
0x83: {  	_ =	shalt  }
0x84: {  	_ =	shalt  }
0x85: {  	_ =	shalt  }
0x86: {  	_ =	shalt  }
0x87: {  	_ =	shalt  }
.Lfunc_end0:
.L_simem_size_0:
called_computation_lowered:
.L_overlay_start_0:
0x88: {  	s2 =	sld [smem:$0x3FD9]  }
0x89: {  	s3 =	sld [smem:$0x3FFE];
	_ =	sdelay $0x1  }
0x8a: {  	s1 =	srdreg.scid  }
0x8b: {  	s0 =	sand.u32 $0x1, s1  }
0x8c: {  	s16 =	sshll.u32 s0, $0xA;
	s2 =	sadd.s32 s3, s2  }
0x8d: {  	s2 =	sadd.s32 s2, s16  }
0x8e: {  	[smem:$0x3FC2] =	sst s2  }
0x8f: {  	_ = 	snop  }
0x90: {  	(tm) =	ssettm $0x1  }
0x91: {  	s17 =	sld [smem:$0x3FFB];
	_ =	sdelay $0x3  }
0x92: {  	_ =	strace s17  }
0x93: {  	s2 =	sld [smem:$0x3FFC];
	_ =	sdelay $0x3  }
0x94: {  	_ =	strace s2  }
0x95: {  	s2 =	sld [smem:$0x3FFD];
	_ =	sdelay $0x3  }
0x96: {  	_ =	strace s2  }
0x97: {  	_ =	strace $0x8FFFFFFF  }
0x98: {  	s18 =	sld [smem:$0x3FDB];
	_ =	sdelay $0x1  }
0x99: {  	s19 =	simm.s32 $_scs_section_size  }
0x9a: {  	s4 =	simm.s32 $_size__tile_overlayer_lowered;
	s5 =	simm.s32 $_tile_overlayer_lowered  }
0x9b: {  	s22 =	simm.s32 $0x1BFF;
	s21 =	sshll.u32 s5, $0x1;
	s2 =	sadd.s32 s19, s18  }
0x9c: {  	s6 =	simm.s32 $0x0;
	s20 =	sshll.u32 s4, $0x1;
	s4 =	sadd.s32 s21, s2  }
0x9d: {  	[timem:s6], [sflag:s22] =	dma.local [hbm:s4], s20  }
0x9e: {  	_ =	swait.ge [sflag:s22], s20  }
0x9f: {  	s3 =	ssub.s32 $0x0, s20;
	[sflag:s22] =	ssyncset.done $0x0  }
0xa0: {  	[sflag:s22] =	ssyncadd.s32 s3;
	_ =	sdelay $0x1  }
0xa1: {  	s23 =	simm.s32 $0x1B8B  }
0xa2: {  	_ =	swait.ge [sflag:s23], $0x1  }
0xa3: {  	[sflag:s23] =	ssyncset.done $0x0  }
0xa4: {  	s25 =	simm.s32 $0x1B8E;
	s24 =	sld [smem:$0x3FFE];
	[sflag:s23] =	ssyncadd.s32 $0xFFFFFFFF  }
0xa5: {  	s26 =	simm.s32 $execute0_lowered;
	[smem:$0x3FD2] =	sst s25  }
0xa6: {  	s4 =	sshll.u32 s26, $0x1;
	_ =	strace $0x80000046;
	[dreg:$0x1] =	wrdreg $0xFFFFFFFF  }
0xa7: {  	s28 =	simm.s32 $_size_execute0_lowered;
	s2 =	sadd.s32 s2, s4;
	[dreg:$0x0] =	wrdreg $0x0  }
0xa8: {  	s4 =	sshll.u32 s28, $0x1;
	[dreg:$0x2] =	wrdreg s2  }
0xa9: {  	[dreg:$0x3] =	wrdreg s4  }
0xaa: {  	[dreg:$0x4] =	wrdreg $0xC0  }
0xab: {  	_ =	task [dreg:s6], $0x5FFFF  }
0xac: {  	[dreg:$0x1] =	wrdreg $0xFFFFFFFF  }
0xad: {  	[dreg:$0x0] =	wrdreg $0x60  }
0xae: {  	[dreg:$0x2] =	wrdreg s24  }
0xaf: {  	[dreg:$0x3] =	wrdreg $0x9  }
0xb0: {  	_ =	task.clear_ibuf [dreg:s6], $0x4FFFF;
	_ =	strace $0x90000046  }
0xb1: {  	s29 =	simm.s32 $0x9;
	_ =	strace $0x80000048  }
0xb2: {  	_ =	swait.ge [sflag:s29], $0x1  }
0xb3: {  	[sflag:s29] =	ssyncadd.s32 $0xFFFFFFFF  }
0xb4: {  	_ =	strace $0x90000048  }
0xb5: {  	_ =	sfence  }
0xb6: {  	s30 =	sld [smem:$0x0];
	_ =	sdelay $0x2  }
0xb7: {  	s31 =	sshll.u32 s1, $0xD;
	s1 =	sshrl.u32 s1, $0x2  }
0xb8: {  	s3 =	sand.u32 $0x4000, s31;
	s1 =	sadd.s32 s1, s30  }
0xb9: {  	s0 =	sor.u32 s3, s0;
	s1 =	sshll.u32 s1, $0x11  }
0xba: {  	s0 =	sor.u32 s1, s0  }
0xbb: {  	s0 =	sadd.s32 $0x8F2B, s0  }
0xbc: {  	[sflag:s0] =	ssyncadd.remote.s32 $0x1  }
0xbd: {  	_ =	sfence.sel $0xFFFF  }
0xbe: {  	[dreg:$0x0] =	wrdreg $0xFFFFFFFF;
	(pc) =	sbr.abs _section_cstart, $3  }
0xbf: {  	[dreg:$0x1] =	wrdreg $0xFFFFFFFF  }
0xc0: {  	_ =	task.clear_ibuf [dreg:s6], $0x2FFFF;
	_ =	strace $0x9FFFFFFF  }
0xc1: {  	(tm) =	ssettm $0x7FFFFFFF  }
tec
execute0_lowered:
.L_overlay_start_1:
0x0: {  	(tag) =	ssettag $0x1  }
0x1: {  	v0 =	vimm.s32 $0x2F80;
	vm0 =	vcmask $0x300  }
0x2: {  	vm14 =	vcmask $0x704;
	v0 =	vsel vm0, $0x0, v0  }
0x3: {  	vm15 =	vcmask $0xB08;
	v0 =	vsel vm14, $0x80, v0  }
0x4: {  	s1 =	srdreg.scid;
	vm4 =	vcmask $0xF0C;
	v0 =	vsel vm15, $0x100, v0  }
0x5: {  	s0 =	stileid.u32;
	vm5 =	vcmask $0x1310;
	s4 =	rddreg [dreg:$0x0];
	v0 =	vsel vm4, $0x180, v0  }
0x6: {  	vm6 =	vcmask $0x1714;
	s2 =	simm.s32 $0x0;
	s12 =	simm.s32 $0xFE00;
	s13 =	simm.s32 $0x3;
	v0 =	vsel vm5, $0x200, v0  }
0x7: {  	vm7 =	vcmask $0x1B18;
	s14 =	simm.s32 $0x4;
	s3 =	sand.u32 $0x1, s1;
	s1 =	rddreg [dreg:$0x1];
	v0 =	vsel vm6, $0x280, v0  }
0x8: {  	vm8 =	vcmask $0x1F1C;
	s15 =	simm.s32 $0x0;
	s29 =	sshll.u32 s0, $0x1;
	[smem:$0x7FF] =	sst s2;
	v0 =	vsel vm7, $0x300, v0  }
0x9: {  	vm9 =	vcmask $0x2320;
	s8 =	sadd.s32 $0xA00, s4;
	s10 =	sadd.s32 $0x2A200, s4;
	s5 =	sor.u32 s3, s29;
	v0 =	vsel vm8, $0x380, v0  }
0xa: {  	vm10 =	vcmask $0x2724;
	s3 =	ssub.s32 $0x2, s3;
	s6 =	sshll.u32 s5, $0x5;
	s7 =	smul.u32 $0x14B8, s5;
	v0 =	vsel vm9, $0x2C00, v0  }
0xb: {  	vm11 =	vcmask $0x2B28;
	s5 =	smul.u32 $0x1600, s5;
	s30 =	sshrl.u32 s3, $0x1;
	s6 =	sor.u32 $0x10, s6;
	v0 =	vsel vm10, $0x2C80, v0  }
0xc: {  	vm12 =	vcmask $0x2F2C;
	_ =	strace $0x80000047;
	s11 =	ssub.s32 s3, s30;
	s9 =	smul.u32 $0x52E, s6;
	v0 =	vsel vm11, $0x2D00, v0  }
0xd: {  	vm13 =	vcmask $0x3330;
	s6 =	sshrl.u32 s6, $0x3;
	s3 =	sadd.s32 s8, s7;
	s5 =	sadd.s32 s10, s5;
	v1 =	vsel vm12, $0x2D80, v0  }
0xe: {  	v2 =	vlaneseq.u32;
	vm14 =	vcmask $0x3734;
	s7 =	smax.u32 s11, $0x1;
	s6 =	smul.u32 $0x580, s6;
	s31 =	sshrl.u32 s9, $0x3;
	v1 =	vsel vm13, $0x2E00, v1  }
0xf: {  	vm15 =	vcmask $0x3B38;
	s11 =	simm.s32 $0x2;
	s9 =	simm.s32 $0x1;
	s4 =	sadd.s32 s8, s31;
	v0 =	vimm.f32 $0.0e+00;
	v3 =	vsel vm14, $0x2E80, v1  }
0x10: {  	s6 =	sadd.s32 s10, s6;
	s8 =	simm.s32 $0x5300;
	s10 =	simm.s32 $0xA600;
	v1 =	vmul.u32 $0x52E, v2;
	v2 =	vsel vm15, $0x2F00, v3;
	v3 =	vimm.f32 $1.000000000e+00  }
.LBB2_1:
0x11: {  	[tilespmem:s2], [sflag:$0x1] =	stream.linear.gather [hbm4b:s3+s2], $0x52E0, $0x38;
	[tilespmem:$0x15600] =	vst v63  }
0x12: {  	s17 =	simm.s32 $0xD5F0  }
0x13: {  	[tilespmem:s8], [sflag:$0x2] =	stream.linear.gather [hbm4b:s4+s2], $0x52E0, $0x38;
	[tilespmem:$0x15600] =	vst v63  }
0x14: {  	[tilespmem:s17+$0xFFFFD010] =	vst v0  }
0x15: {  	[tilespmem:s17+$0x0] =	vst v0  }
0x16: {  	[tilespmem:s17+$0xFFFFFFF0] =	vst v0  }
0x17: {  	[tilespmem:s17+$0xFFFFFFE0] =	vst v0  }
0x18: {  	[tilespmem:s17+$0xFFFFFFD0] =	vst v0  }
0x19: {  	[tilespmem:s17+$0xFFFFFF80] =	vst v0  }
0x1a: {  	[tilespmem:s17+$0xFFFFFF70] =	vst v0  }
0x1b: {  	[tilespmem:s17+$0xFFFFFF60] =	vst v0  }
0x1c: {  	[tilespmem:s17+$0xFFFFFF50] =	vst v0  }
0x1d: {  	[tilespmem:s17+$0xFFFFFF00] =	vst v0  }
0x1e: {  	[tilespmem:s17+$0xFFFFFEF0] =	vst v0  }
0x1f: {  	[tilespmem:s17+$0xFFFFFEE0] =	vst v0  }
0x20: {  	[tilespmem:s17+$0xFFFFFED0] =	vst v0  }
0x21: {  	[tilespmem:s17+$0xFFFFFE80] =	vst v0  }
0x22: {  	[tilespmem:s17+$0xFFFFFE70] =	vst v0  }
0x23: {  	[tilespmem:s17+$0xFFFFFE60] =	vst v0  }
0x24: {  	[tilespmem:s17+$0xFFFFFE50] =	vst v0  }
0x25: {  	[tilespmem:s17+$0xFFFFFE00] =	vst v0  }
0x26: {  	[tilespmem:s17+$0xFFFFFDF0] =	vst v0  }
0x27: {  	[tilespmem:s17+$0xFFFFFDE0] =	vst v0  }
0x28: {  	[tilespmem:s17+$0xFFFFFDD0] =	vst v0  }
0x29: {  	[tilespmem:s17+$0xFFFFFD80] =	vst v0  }
0x2a: {  	[tilespmem:s17+$0xFFFFFD70] =	vst v0  }
0x2b: {  	[tilespmem:s17+$0xFFFFFD60] =	vst v0  }
0x2c: {  	[tilespmem:s17+$0xFFFFFD50] =	vst v0  }
0x2d: {  	[tilespmem:s17+$0xFFFFFD00] =	vst v0  }
0x2e: {  	[tilespmem:s17+$0xFFFFFCF0] =	vst v0  }
0x2f: {  	[tilespmem:s17+$0xFFFFFCE0] =	vst v0  }
0x30: {  	[tilespmem:s17+$0xFFFFFCD0] =	vst v0  }
0x31: {  	[tilespmem:s17+$0xFFFFFC80] =	vst v0  }
0x32: {  	[tilespmem:s17+$0xFFFFFC70] =	vst v0  }
0x33: {  	[tilespmem:s17+$0xFFFFFC60] =	vst v0  }
0x34: {  	[tilespmem:s17+$0xFFFFFC50] =	vst v0  }
0x35: {  	[tilespmem:s17+$0xFFFFD400] =	vst v0  }
0x36: {  	[tilespmem:s17+$0xFFFFD3F0] =	vst v0  }
0x37: {  	[tilespmem:s17+$0xFFFFD3E0] =	vst v0  }
0x38: {  	[tilespmem:s17+$0xFFFFD3D0] =	vst v0  }
0x39: {  	[tilespmem:s17+$0xFFFFD380] =	vst v0  }
0x3a: {  	[tilespmem:s17+$0xFFFFD370] =	vst v0  }
0x3b: {  	[tilespmem:s17+$0xFFFFD360] =	vst v0  }
0x3c: {  	[tilespmem:s17+$0xFFFFD350] =	vst v0  }
0x3d: {  	[tilespmem:s17+$0xFFFFD300] =	vst v0  }
0x3e: {  	[tilespmem:s17+$0xFFFFD2F0] =	vst v0  }
0x3f: {  	[tilespmem:s17+$0xFFFFD2E0] =	vst v0  }
0x40: {  	[tilespmem:s17+$0xFFFFD2D0] =	vst v0  }
0x41: {  	[tilespmem:s17+$0xFFFFD280] =	vst v0  }
0x42: {  	[tilespmem:s17+$0xFFFFD270] =	vst v0  }
0x43: {  	[tilespmem:s17+$0xFFFFD260] =	vst v0  }
0x44: {  	[tilespmem:s17+$0xFFFFD250] =	vst v0  }
0x45: {  	[tilespmem:s17+$0xFFFFD200] =	vst v0  }
0x46: {  	[tilespmem:s17+$0xFFFFD1F0] =	vst v0  }
0x47: {  	[tilespmem:s17+$0xFFFFD1E0] =	vst v0  }
0x48: {  	[tilespmem:s17+$0xFFFFD1D0] =	vst v0  }
0x49: {  	[tilespmem:s17+$0xFFFFD180] =	vst v0  }
0x4a: {  	[tilespmem:s17+$0xFFFFD170] =	vst v0  }
0x4b: {  	[tilespmem:s17+$0xFFFFD160] =	vst v0  }
0x4c: {  	[tilespmem:s17+$0xFFFFD150] =	vst v0  }
0x4d: {  	[tilespmem:s17+$0xFFFFD100] =	vst v0  }
0x4e: {  	[tilespmem:s17+$0xFFFFD0F0] =	vst v0  }
0x4f: {  	[tilespmem:s17+$0xFFFFD0E0] =	vst v0  }
0x50: {  	[tilespmem:s17+$0xFFFFD0D0] =	vst v0  }
0x51: {  	[tilespmem:s17+$0xFFFFD080] =	vst v0  }
0x52: {  	[tilespmem:s17+$0xFFFFD070] =	vst v0  }
0x53: {  	[tilespmem:s17+$0xFFFFD060] =	vst v0  }
0x54: {  	[tilespmem:s17+$0xFFFFD050] =	vst v0  }
0x55: {  	[tilespmem:s17+$0xFFFFFFC0] =	vst v0  }
0x56: {  	[tilespmem:s17+$0xFFFFFFB0] =	vst v0  }
0x57: {  	[tilespmem:s17+$0xFFFFFFA0] =	vst v0  }
0x58: {  	[tilespmem:s17+$0xFFFFFF90] =	vst v0  }
0x59: {  	[tilespmem:s17+$0xFFFFFF40] =	vst v0  }
0x5a: {  	[tilespmem:s17+$0xFFFFFF30] =	vst v0  }
0x5b: {  	[tilespmem:s17+$0xFFFFFF20] =	vst v0  }
0x5c: {  	[tilespmem:s17+$0xFFFFFF10] =	vst v0  }
0x5d: {  	[tilespmem:s17+$0xFFFFFEC0] =	vst v0  }
0x5e: {  	[tilespmem:s17+$0xFFFFFEB0] =	vst v0  }
0x5f: {  	[tilespmem:s17+$0xFFFFFEA0] =	vst v0  }
0x60: {  	[tilespmem:s17+$0xFFFFFE90] =	vst v0  }
0x61: {  	[tilespmem:s17+$0xFFFFFE40] =	vst v0  }
0x62: {  	[tilespmem:s17+$0xFFFFFE30] =	vst v0  }
0x63: {  	[tilespmem:s17+$0xFFFFFE20] =	vst v0  }
0x64: {  	[tilespmem:s17+$0xFFFFFE10] =	vst v0  }
0x65: {  	[tilespmem:s17+$0xFFFFFDC0] =	vst v0  }
0x66: {  	[tilespmem:s17+$0xFFFFFDB0] =	vst v0  }
0x67: {  	[tilespmem:s17+$0xFFFFFDA0] =	vst v0  }
0x68: {  	[tilespmem:s17+$0xFFFFFD90] =	vst v0  }
0x69: {  	[tilespmem:s17+$0xFFFFFD40] =	vst v0  }
0x6a: {  	[tilespmem:s17+$0xFFFFFD30] =	vst v0  }
0x6b: {  	[tilespmem:s17+$0xFFFFFD20] =	vst v0  }
0x6c: {  	[tilespmem:s17+$0xFFFFFD10] =	vst v0  }
0x6d: {  	[tilespmem:s17+$0xFFFFFCC0] =	vst v0  }
0x6e: {  	[tilespmem:s17+$0xFFFFFCB0] =	vst v0  }
0x6f: {  	[tilespmem:s17+$0xFFFFFCA0] =	vst v0  }
0x70: {  	[tilespmem:s17+$0xFFFFFC90] =	vst v0  }
0x71: {  	[tilespmem:s17+$0xFFFFFC40] =	vst v0  }
0x72: {  	[tilespmem:s17+$0xFFFFFC30] =	vst v0  }
0x73: {  	[tilespmem:s17+$0xFFFFFC20] =	vst v0  }
0x74: {  	[tilespmem:s17+$0xFFFFFC10] =	vst v0  }
0x75: {  	[tilespmem:s17+$0xFFFFD3C0] =	vst v0  }
0x76: {  	[tilespmem:s17+$0xFFFFD3B0] =	vst v0  }
0x77: {  	[tilespmem:s17+$0xFFFFD3A0] =	vst v0  }
0x78: {  	[tilespmem:s17+$0xFFFFD390] =	vst v0  }
0x79: {  	[tilespmem:s17+$0xFFFFD340] =	vst v0  }
0x7a: {  	[tilespmem:s17+$0xFFFFD330] =	vst v0  }
0x7b: {  	[tilespmem:s17+$0xFFFFD320] =	vst v0  }
0x7c: {  	[tilespmem:s17+$0xFFFFD310] =	vst v0  }
0x7d: {  	[tilespmem:s17+$0xFFFFD2C0] =	vst v0  }
0x7e: {  	[tilespmem:s17+$0xFFFFD2B0] =	vst v0  }
0x7f: {  	[tilespmem:s17+$0xFFFFD2A0] =	vst v0  }
0x80: {  	[tilespmem:s17+$0xFFFFD290] =	vst v0  }
0x81: {  	[tilespmem:s17+$0xFFFFD240] =	vst v0  }
0x82: {  	[tilespmem:s17+$0xFFFFD230] =	vst v0  }
0x83: {  	[tilespmem:s17+$0xFFFFD220] =	vst v0  }
0x84: {  	[tilespmem:s17+$0xFFFFD210] =	vst v0  }
0x85: {  	[tilespmem:s17+$0xFFFFD1C0] =	vst v0  }
0x86: {  	[tilespmem:s17+$0xFFFFD1B0] =	vst v0  }
0x87: {  	[tilespmem:s17+$0xFFFFD1A0] =	vst v0  }
0x88: {  	[tilespmem:s17+$0xFFFFD190] =	vst v0  }
0x89: {  	[tilespmem:s17+$0xFFFFD140] =	vst v0  }
0x8a: {  	[tilespmem:s17+$0xFFFFD130] =	vst v0  }
0x8b: {  	[tilespmem:s17+$0xFFFFD120] =	vst v0  }
0x8c: {  	[tilespmem:s17+$0xFFFFD110] =	vst v0  }
0x8d: {  	[tilespmem:s17+$0xFFFFD0C0] =	vst v0  }
0x8e: {  	[tilespmem:s17+$0xFFFFD0B0] =	vst v0  }
0x8f: {  	[tilespmem:s17+$0xFFFFD0A0] =	vst v0  }
0x90: {  	[tilespmem:s17+$0xFFFFD090] =	vst v0  }
0x91: {  	[tilespmem:s17+$0xFFFFD040] =	vst v0  }
0x92: {  	s18 =	simm.s32 $0x0;
	[tilespmem:s17+$0xFFFFD030] =	vst v0  }
.LBB2_2:
0x93: {  	s18 =	sadd.s32 $0x2, s18;
	[tilespmem:s17+$0xFFFFD020] =	vst v0;
	s17 =	sadd.s32 $0x400, s17;
	s16 =	simm.s32 $0x12DF0  }
0x94: {  	[tilespmem:s17+$0xFFFFD010] =	vst v0;
	p0 =	slt.u32 s18, $0x14  }
0x95: {  	[tilespmem:s17+$0x0] =	vst v0  }
0x96: {  	[tilespmem:s17+$0xFFFFFFF0] =	vst v0  }
0x97: {  	[tilespmem:s17+$0xFFFFFFE0] =	vst v0  }
0x98: {  	[tilespmem:s17+$0xFFFFFFD0] =	vst v0  }
0x99: {  	[tilespmem:s17+$0xFFFFFF80] =	vst v0  }
0x9a: {  	[tilespmem:s17+$0xFFFFFF70] =	vst v0  }
0x9b: {  	[tilespmem:s17+$0xFFFFFF60] =	vst v0  }
0x9c: {  	[tilespmem:s17+$0xFFFFFF50] =	vst v0  }
0x9d: {  	[tilespmem:s17+$0xFFFFFF00] =	vst v0  }
0x9e: {  	[tilespmem:s17+$0xFFFFFEF0] =	vst v0  }
0x9f: {  	[tilespmem:s17+$0xFFFFFEE0] =	vst v0  }
0xa0: {  	[tilespmem:s17+$0xFFFFFED0] =	vst v0  }
0xa1: {  	[tilespmem:s17+$0xFFFFFE80] =	vst v0  }
0xa2: {  	[tilespmem:s17+$0xFFFFFE70] =	vst v0  }
0xa3: {  	[tilespmem:s17+$0xFFFFFE60] =	vst v0  }
0xa4: {  	[tilespmem:s17+$0xFFFFFE50] =	vst v0  }
0xa5: {  	[tilespmem:s17+$0xFFFFFE00] =	vst v0  }
0xa6: {  	[tilespmem:s17+$0xFFFFFDF0] =	vst v0  }
0xa7: {  	[tilespmem:s17+$0xFFFFFDE0] =	vst v0  }
0xa8: {  	[tilespmem:s17+$0xFFFFFDD0] =	vst v0  }
0xa9: {  	[tilespmem:s17+$0xFFFFFD80] =	vst v0  }
0xaa: {  	[tilespmem:s17+$0xFFFFFD70] =	vst v0  }
0xab: {  	[tilespmem:s17+$0xFFFFFD60] =	vst v0  }
0xac: {  	[tilespmem:s17+$0xFFFFFD50] =	vst v0  }
0xad: {  	[tilespmem:s17+$0xFFFFFD00] =	vst v0  }
0xae: {  	[tilespmem:s17+$0xFFFFFCF0] =	vst v0  }
0xaf: {  	[tilespmem:s17+$0xFFFFFCE0] =	vst v0  }
0xb0: {  	[tilespmem:s17+$0xFFFFFCD0] =	vst v0  }
0xb1: {  	[tilespmem:s17+$0xFFFFFC80] =	vst v0  }
0xb2: {  	[tilespmem:s17+$0xFFFFFC70] =	vst v0  }
0xb3: {  	[tilespmem:s17+$0xFFFFFC60] =	vst v0  }
0xb4: {  	[tilespmem:s17+$0xFFFFFC50] =	vst v0  }
0xb5: {  	[tilespmem:s17+$0xFFFFD400] =	vst v0  }
0xb6: {  	[tilespmem:s17+$0xFFFFD3F0] =	vst v0  }
0xb7: {  	[tilespmem:s17+$0xFFFFD3E0] =	vst v0  }
0xb8: {  	[tilespmem:s17+$0xFFFFD3D0] =	vst v0  }
0xb9: {  	[tilespmem:s17+$0xFFFFD380] =	vst v0  }
0xba: {  	[tilespmem:s17+$0xFFFFD370] =	vst v0  }
0xbb: {  	[tilespmem:s17+$0xFFFFD360] =	vst v0  }
0xbc: {  	[tilespmem:s17+$0xFFFFD350] =	vst v0  }
0xbd: {  	[tilespmem:s17+$0xFFFFD300] =	vst v0  }
0xbe: {  	[tilespmem:s17+$0xFFFFD2F0] =	vst v0  }
0xbf: {  	[tilespmem:s17+$0xFFFFD2E0] =	vst v0  }
0xc0: {  	[tilespmem:s17+$0xFFFFD2D0] =	vst v0  }
0xc1: {  	[tilespmem:s17+$0xFFFFD280] =	vst v0  }
0xc2: {  	[tilespmem:s17+$0xFFFFD270] =	vst v0  }
0xc3: {  	[tilespmem:s17+$0xFFFFD260] =	vst v0  }
0xc4: {  	[tilespmem:s17+$0xFFFFD250] =	vst v0  }
0xc5: {  	[tilespmem:s17+$0xFFFFD200] =	vst v0  }
0xc6: {  	[tilespmem:s17+$0xFFFFD1F0] =	vst v0  }
0xc7: {  	[tilespmem:s17+$0xFFFFD1E0] =	vst v0  }
0xc8: {  	[tilespmem:s17+$0xFFFFD1D0] =	vst v0  }
0xc9: {  	[tilespmem:s17+$0xFFFFD180] =	vst v0  }
0xca: {  	[tilespmem:s17+$0xFFFFD170] =	vst v0  }
0xcb: {  	[tilespmem:s17+$0xFFFFD160] =	vst v0  }
0xcc: {  	[tilespmem:s17+$0xFFFFD150] =	vst v0  }
0xcd: {  	[tilespmem:s17+$0xFFFFD100] =	vst v0  }
0xce: {  	[tilespmem:s17+$0xFFFFD0F0] =	vst v0  }
0xcf: {  	[tilespmem:s17+$0xFFFFD0E0] =	vst v0  }
0xd0: {  	[tilespmem:s17+$0xFFFFD0D0] =	vst v0  }
0xd1: {  	[tilespmem:s17+$0xFFFFD080] =	vst v0  }
0xd2: {  	[tilespmem:s17+$0xFFFFD070] =	vst v0  }
0xd3: {  	[tilespmem:s17+$0xFFFFD060] =	vst v0  }
0xd4: {  	[tilespmem:s17+$0xFFFFD050] =	vst v0  }
0xd5: {  	[tilespmem:s17+$0xFFFFFFC0] =	vst v0  }
0xd6: {  	[tilespmem:s17+$0xFFFFFFB0] =	vst v0  }
0xd7: {  	[tilespmem:s17+$0xFFFFFFA0] =	vst v0  }
0xd8: {  	[tilespmem:s17+$0xFFFFFF90] =	vst v0  }
0xd9: {  	[tilespmem:s17+$0xFFFFFF40] =	vst v0  }
0xda: {  	[tilespmem:s17+$0xFFFFFF30] =	vst v0  }
0xdb: {  	[tilespmem:s17+$0xFFFFFF20] =	vst v0  }
0xdc: {  	[tilespmem:s17+$0xFFFFFF10] =	vst v0  }
0xdd: {  	[tilespmem:s17+$0xFFFFFEC0] =	vst v0  }
0xde: {  	[tilespmem:s17+$0xFFFFFEB0] =	vst v0  }
0xdf: {  	[tilespmem:s17+$0xFFFFFEA0] =	vst v0  }
0xe0: {  	[tilespmem:s17+$0xFFFFFE90] =	vst v0  }
0xe1: {  	[tilespmem:s17+$0xFFFFFE40] =	vst v0  }
0xe2: {  	[tilespmem:s17+$0xFFFFFE30] =	vst v0  }
0xe3: {  	[tilespmem:s17+$0xFFFFFE20] =	vst v0  }
0xe4: {  	[tilespmem:s17+$0xFFFFFE10] =	vst v0  }
0xe5: {  	[tilespmem:s17+$0xFFFFFDC0] =	vst v0  }
0xe6: {  	[tilespmem:s17+$0xFFFFFDB0] =	vst v0  }
0xe7: {  	[tilespmem:s17+$0xFFFFFDA0] =	vst v0  }
0xe8: {  	[tilespmem:s17+$0xFFFFFD90] =	vst v0  }
0xe9: {  	[tilespmem:s17+$0xFFFFFD40] =	vst v0  }
0xea: {  	[tilespmem:s17+$0xFFFFFD30] =	vst v0  }
0xeb: {  	[tilespmem:s17+$0xFFFFFD20] =	vst v0  }
0xec: {  	[tilespmem:s17+$0xFFFFFD10] =	vst v0  }
0xed: {  	[tilespmem:s17+$0xFFFFFCC0] =	vst v0  }
0xee: {  	[tilespmem:s17+$0xFFFFFCB0] =	vst v0  }
0xef: {  	[tilespmem:s17+$0xFFFFFCA0] =	vst v0  }
0xf0: {  	[tilespmem:s17+$0xFFFFFC90] =	vst v0  }
0xf1: {  	[tilespmem:s17+$0xFFFFFC40] =	vst v0  }
0xf2: {  	[tilespmem:s17+$0xFFFFFC30] =	vst v0  }
0xf3: {  	[tilespmem:s17+$0xFFFFFC20] =	vst v0  }
0xf4: {  	[tilespmem:s17+$0xFFFFFC10] =	vst v0  }
0xf5: {  	[tilespmem:s17+$0xFFFFD3C0] =	vst v0  }
0xf6: {  	[tilespmem:s17+$0xFFFFD3B0] =	vst v0  }
0xf7: {  	[tilespmem:s17+$0xFFFFD3A0] =	vst v0  }
0xf8: {  	[tilespmem:s17+$0xFFFFD390] =	vst v0  }
0xf9: {  	[tilespmem:s17+$0xFFFFD340] =	vst v0  }
0xfa: {  	[tilespmem:s17+$0xFFFFD330] =	vst v0  }
0xfb: {  	[tilespmem:s17+$0xFFFFD320] =	vst v0  }
0xfc: {  	[tilespmem:s17+$0xFFFFD310] =	vst v0  }
0xfd: {  	[tilespmem:s17+$0xFFFFD2C0] =	vst v0  }
0xfe: {  	[tilespmem:s17+$0xFFFFD2B0] =	vst v0  }
0xff: {  	[tilespmem:s17+$0xFFFFD2A0] =	vst v0  }
0x100: {  	[tilespmem:s17+$0xFFFFD290] =	vst v0  }
0x101: {  	[tilespmem:s17+$0xFFFFD240] =	vst v0  }
0x102: {  	[tilespmem:s17+$0xFFFFD230] =	vst v0  }
0x103: {  	[tilespmem:s17+$0xFFFFD220] =	vst v0  }
0x104: {  	[tilespmem:s17+$0xFFFFD210] =	vst v0  }
0x105: {  	[tilespmem:s17+$0xFFFFD1C0] =	vst v0  }
0x106: {  	[tilespmem:s17+$0xFFFFD1B0] =	vst v0  }
0x107: {  	[tilespmem:s17+$0xFFFFD1A0] =	vst v0  }
0x108: {  	[tilespmem:s17+$0xFFFFD190] =	vst v0  }
0x109: {  	[tilespmem:s17+$0xFFFFD140] =	vst v0  }
0x10a: {  	[tilespmem:s17+$0xFFFFD130] =	vst v0  }
0x10b: {  	[tilespmem:s17+$0xFFFFD120] =	vst v0  }
0x10c: {  	[tilespmem:s17+$0xFFFFD110] =	vst v0  }
0x10d: {  	[tilespmem:s17+$0xFFFFD0C0] =	vst v0  }
.Ltmp0:
0x10e: {  	[tilespmem:s17+$0xFFFFD0B0] =	vst v0;
	(pc) =	sbr.rel @p0 .LBB2_2-.Ltmp0, $4  }
0x10f: {  	[tilespmem:s17+$0xFFFFD0A0] =	vst v0  }
0x110: {  	[tilespmem:s17+$0xFFFFD090] =	vst v0  }
0x111: {  	[tilespmem:s17+$0xFFFFD040] =	vst v0  }
0x112: {  	[tilespmem:s17+$0xFFFFD030] =	vst v0  }
0x113: {  	[tilespmem:s17+$0xFFFFD020] =	vst v0  }
0x114: {  	[tilespmem:s16+$0xFFFFD010] =	vst v0  }
0x115: {  	[tilespmem:s16+$0x0] =	vst v0  }
0x116: {  	[tilespmem:s16+$0xFFFFFFF0] =	vst v0  }
0x117: {  	[tilespmem:s16+$0xFFFFFFE0] =	vst v0  }
0x118: {  	[tilespmem:s16+$0xFFFFFFD0] =	vst v0  }
0x119: {  	[tilespmem:s16+$0xFFFFFF80] =	vst v0  }
0x11a: {  	[tilespmem:s16+$0xFFFFFF70] =	vst v0  }
0x11b: {  	[tilespmem:s16+$0xFFFFFF60] =	vst v0  }
0x11c: {  	[tilespmem:s16+$0xFFFFFF50] =	vst v0  }
0x11d: {  	[tilespmem:s16+$0xFFFFFF00] =	vst v0  }
0x11e: {  	[tilespmem:s16+$0xFFFFFEF0] =	vst v0  }
0x11f: {  	[tilespmem:s16+$0xFFFFFEE0] =	vst v0  }
0x120: {  	[tilespmem:s16+$0xFFFFFED0] =	vst v0  }
0x121: {  	[tilespmem:s16+$0xFFFFFE80] =	vst v0  }
0x122: {  	[tilespmem:s16+$0xFFFFFE70] =	vst v0  }
0x123: {  	[tilespmem:s16+$0xFFFFFE60] =	vst v0  }
0x124: {  	[tilespmem:s16+$0xFFFFFE50] =	vst v0  }
0x125: {  	[tilespmem:s16+$0xFFFFFE00] =	vst v0  }
0x126: {  	[tilespmem:s16+$0xFFFFFDF0] =	vst v0  }
0x127: {  	[tilespmem:s16+$0xFFFFFDE0] =	vst v0  }
0x128: {  	[tilespmem:s16+$0xFFFFFDD0] =	vst v0  }
0x129: {  	[tilespmem:s16+$0xFFFFFD80] =	vst v0  }
0x12a: {  	[tilespmem:s16+$0xFFFFFD70] =	vst v0  }
0x12b: {  	[tilespmem:s16+$0xFFFFFD60] =	vst v0  }
0x12c: {  	[tilespmem:s16+$0xFFFFFD50] =	vst v0  }
0x12d: {  	[tilespmem:s16+$0xFFFFFD00] =	vst v0  }
0x12e: {  	[tilespmem:s16+$0xFFFFFCF0] =	vst v0  }
0x12f: {  	[tilespmem:s16+$0xFFFFFCE0] =	vst v0  }
0x130: {  	[tilespmem:s16+$0xFFFFFCD0] =	vst v0  }
0x131: {  	[tilespmem:s16+$0xFFFFFC80] =	vst v0  }
0x132: {  	[tilespmem:s16+$0xFFFFFC70] =	vst v0  }
0x133: {  	[tilespmem:s16+$0xFFFFFC60] =	vst v0  }
0x134: {  	[tilespmem:s16+$0xFFFFFC50] =	vst v0  }
0x135: {  	[tilespmem:s16+$0xFFFFD400] =	vst v0  }
0x136: {  	[tilespmem:s16+$0xFFFFD3F0] =	vst v0  }
0x137: {  	[tilespmem:s16+$0xFFFFD3E0] =	vst v0  }
0x138: {  	[tilespmem:s16+$0xFFFFD3D0] =	vst v0  }
0x139: {  	[tilespmem:s16+$0xFFFFD380] =	vst v0  }
0x13a: {  	[tilespmem:s16+$0xFFFFD370] =	vst v0  }
0x13b: {  	[tilespmem:s16+$0xFFFFD360] =	vst v0  }
0x13c: {  	[tilespmem:s16+$0xFFFFD350] =	vst v0  }
0x13d: {  	[tilespmem:s16+$0xFFFFD300] =	vst v0  }
0x13e: {  	[tilespmem:s16+$0xFFFFD2F0] =	vst v0  }
0x13f: {  	[tilespmem:s16+$0xFFFFD2E0] =	vst v0  }
0x140: {  	[tilespmem:s16+$0xFFFFD2D0] =	vst v0  }
0x141: {  	[tilespmem:s16+$0xFFFFD280] =	vst v0  }
0x142: {  	[tilespmem:s16+$0xFFFFD270] =	vst v0  }
0x143: {  	[tilespmem:s16+$0xFFFFD260] =	vst v0  }
0x144: {  	[tilespmem:s16+$0xFFFFD250] =	vst v0  }
0x145: {  	[tilespmem:s16+$0xFFFFD200] =	vst v0  }
0x146: {  	[tilespmem:s16+$0xFFFFD1F0] =	vst v0  }
0x147: {  	[tilespmem:s16+$0xFFFFD1E0] =	vst v0  }
0x148: {  	[tilespmem:s16+$0xFFFFD1D0] =	vst v0  }
0x149: {  	[tilespmem:s16+$0xFFFFD180] =	vst v0  }
0x14a: {  	[tilespmem:s16+$0xFFFFD170] =	vst v0  }
0x14b: {  	[tilespmem:s16+$0xFFFFD160] =	vst v0  }
0x14c: {  	[tilespmem:s16+$0xFFFFD150] =	vst v0  }
0x14d: {  	[tilespmem:s16+$0xFFFFD100] =	vst v0  }
0x14e: {  	[tilespmem:s16+$0xFFFFD0F0] =	vst v0  }
0x14f: {  	[tilespmem:s16+$0xFFFFD0E0] =	vst v0  }
0x150: {  	[tilespmem:s16+$0xFFFFD0D0] =	vst v0  }
0x151: {  	[tilespmem:s16+$0xFFFFD080] =	vst v0  }
0x152: {  	[tilespmem:s16+$0xFFFFD070] =	vst v0  }
0x153: {  	[tilespmem:s16+$0xFFFFD060] =	vst v0  }
0x154: {  	[tilespmem:s16+$0xFFFFD050] =	vst v0  }
0x155: {  	[tilespmem:s16+$0xFFFFFFC0] =	vst v0  }
0x156: {  	[tilespmem:s16+$0xFFFFFFB0] =	vst v0  }
0x157: {  	[tilespmem:s16+$0xFFFFFFA0] =	vst v0  }
0x158: {  	[tilespmem:s16+$0xFFFFFF90] =	vst v0  }
0x159: {  	[tilespmem:s16+$0xFFFFFF40] =	vst v0  }
0x15a: {  	[tilespmem:s16+$0xFFFFFF30] =	vst v0  }
0x15b: {  	[tilespmem:s16+$0xFFFFFF20] =	vst v0  }
0x15c: {  	[tilespmem:s16+$0xFFFFFF10] =	vst v0  }
0x15d: {  	[tilespmem:s16+$0xFFFFFEC0] =	vst v0  }
0x15e: {  	[tilespmem:s16+$0xFFFFFEB0] =	vst v0  }
0x15f: {  	[tilespmem:s16+$0xFFFFFEA0] =	vst v0  }
0x160: {  	[tilespmem:s16+$0xFFFFFE90] =	vst v0  }
0x161: {  	[tilespmem:s16+$0xFFFFFE40] =	vst v0  }
0x162: {  	[tilespmem:s16+$0xFFFFFE30] =	vst v0  }
0x163: {  	[tilespmem:s16+$0xFFFFFE20] =	vst v0  }
0x164: {  	[tilespmem:s16+$0xFFFFFE10] =	vst v0  }
0x165: {  	[tilespmem:s16+$0xFFFFFDC0] =	vst v0  }
0x166: {  	[tilespmem:s16+$0xFFFFFDB0] =	vst v0  }
0x167: {  	[tilespmem:s16+$0xFFFFFDA0] =	vst v0  }
0x168: {  	[tilespmem:s16+$0xFFFFFD90] =	vst v0  }
0x169: {  	[tilespmem:s16+$0xFFFFFD40] =	vst v0  }
0x16a: {  	[tilespmem:s16+$0xFFFFFD30] =	vst v0  }
0x16b: {  	[tilespmem:s16+$0xFFFFFD20] =	vst v0  }
0x16c: {  	[tilespmem:s16+$0xFFFFFD10] =	vst v0  }
0x16d: {  	[tilespmem:s16+$0xFFFFFCC0] =	vst v0  }
0x16e: {  	[tilespmem:s16+$0xFFFFFCB0] =	vst v0  }
0x16f: {  	[tilespmem:s16+$0xFFFFFCA0] =	vst v0  }
0x170: {  	[tilespmem:s16+$0xFFFFFC90] =	vst v0  }
0x171: {  	[tilespmem:s16+$0xFFFFFC40] =	vst v0  }
0x172: {  	[tilespmem:s16+$0xFFFFFC30] =	vst v0  }
0x173: {  	[tilespmem:s16+$0xFFFFFC20] =	vst v0  }
0x174: {  	[tilespmem:s16+$0xFFFFFC10] =	vst v0  }
0x175: {  	[tilespmem:s16+$0xFFFFD3C0] =	vst v0  }
0x176: {  	[tilespmem:s16+$0xFFFFD3B0] =	vst v0  }
0x177: {  	[tilespmem:s16+$0xFFFFD3A0] =	vst v0  }
0x178: {  	[tilespmem:s16+$0xFFFFD390] =	vst v0  }
0x179: {  	[tilespmem:s16+$0xFFFFD340] =	vst v0  }
0x17a: {  	[tilespmem:s16+$0xFFFFD330] =	vst v0  }
0x17b: {  	[tilespmem:s16+$0xFFFFD320] =	vst v0  }
0x17c: {  	[tilespmem:s16+$0xFFFFD310] =	vst v0  }
0x17d: {  	[tilespmem:s16+$0xFFFFD2C0] =	vst v0  }
0x17e: {  	[tilespmem:s16+$0xFFFFD2B0] =	vst v0  }
0x17f: {  	[tilespmem:s16+$0xFFFFD2A0] =	vst v0  }
0x180: {  	[tilespmem:s16+$0xFFFFD290] =	vst v0  }
0x181: {  	[tilespmem:s16+$0xFFFFD240] =	vst v0  }
0x182: {  	[tilespmem:s16+$0xFFFFD230] =	vst v0  }
0x183: {  	[tilespmem:s16+$0xFFFFD220] =	vst v0  }
0x184: {  	[tilespmem:s16+$0xFFFFD210] =	vst v0  }
0x185: {  	[tilespmem:s16+$0xFFFFD1C0] =	vst v0  }
0x186: {  	[tilespmem:s16+$0xFFFFD1B0] =	vst v0  }
0x187: {  	[tilespmem:s16+$0xFFFFD1A0] =	vst v0  }
0x188: {  	[tilespmem:s16+$0xFFFFD190] =	vst v0  }
0x189: {  	[tilespmem:s16+$0xFFFFD140] =	vst v0  }
0x18a: {  	[tilespmem:s16+$0xFFFFD130] =	vst v0  }
0x18b: {  	[tilespmem:s16+$0xFFFFD120] =	vst v0  }
0x18c: {  	[tilespmem:s16+$0xFFFFD110] =	vst v0  }
0x18d: {  	[tilespmem:s16+$0xFFFFD0C0] =	vst v0  }
0x18e: {  	[tilespmem:s16+$0xFFFFD0B0] =	vst v0  }
0x18f: {  	[tilespmem:s16+$0xFFFFD0A0] =	vst v0  }
0x190: {  	[tilespmem:s16+$0xFFFFD090] =	vst v0  }
0x191: {  	[tilespmem:s16+$0xFFFFD040] =	vst v0  }
0x192: {  	s17 =	simm.s32 $0x0;
	[tilespmem:s16+$0xFFFFD030] =	vst v0  }
.LBB2_4:
0x193: {  	s17 =	sadd.s32 $0x2, s17;
	[tilespmem:s16+$0xFFFFD020] =	vst v0;
	s16 =	sadd.s32 $0x400, s16  }
0x194: {  	[tilespmem:s16+$0xFFFFD010] =	vst v0;
	p0 =	slt.u32 s17, $0x14  }
0x195: {  	[tilespmem:s16+$0x0] =	vst v0  }
0x196: {  	[tilespmem:s16+$0xFFFFFFF0] =	vst v0  }
0x197: {  	[tilespmem:s16+$0xFFFFFFE0] =	vst v0  }
0x198: {  	[tilespmem:s16+$0xFFFFFFD0] =	vst v0  }
0x199: {  	[tilespmem:s16+$0xFFFFFF80] =	vst v0  }
0x19a: {  	[tilespmem:s16+$0xFFFFFF70] =	vst v0  }
0x19b: {  	[tilespmem:s16+$0xFFFFFF60] =	vst v0  }
0x19c: {  	[tilespmem:s16+$0xFFFFFF50] =	vst v0  }
0x19d: {  	[tilespmem:s16+$0xFFFFFF00] =	vst v0  }
0x19e: {  	[tilespmem:s16+$0xFFFFFEF0] =	vst v0  }
0x19f: {  	[tilespmem:s16+$0xFFFFFEE0] =	vst v0  }
0x1a0: {  	[tilespmem:s16+$0xFFFFFED0] =	vst v0  }
0x1a1: {  	[tilespmem:s16+$0xFFFFFE80] =	vst v0  }
0x1a2: {  	[tilespmem:s16+$0xFFFFFE70] =	vst v0  }
0x1a3: {  	[tilespmem:s16+$0xFFFFFE60] =	vst v0  }
0x1a4: {  	[tilespmem:s16+$0xFFFFFE50] =	vst v0  }
0x1a5: {  	[tilespmem:s16+$0xFFFFFE00] =	vst v0  }
0x1a6: {  	[tilespmem:s16+$0xFFFFFDF0] =	vst v0  }
0x1a7: {  	[tilespmem:s16+$0xFFFFFDE0] =	vst v0  }
0x1a8: {  	[tilespmem:s16+$0xFFFFFDD0] =	vst v0  }
0x1a9: {  	[tilespmem:s16+$0xFFFFFD80] =	vst v0  }
0x1aa: {  	[tilespmem:s16+$0xFFFFFD70] =	vst v0  }
0x1ab: {  	[tilespmem:s16+$0xFFFFFD60] =	vst v0  }
0x1ac: {  	[tilespmem:s16+$0xFFFFFD50] =	vst v0  }
0x1ad: {  	[tilespmem:s16+$0xFFFFFD00] =	vst v0  }
0x1ae: {  	[tilespmem:s16+$0xFFFFFCF0] =	vst v0  }
0x1af: {  	[tilespmem:s16+$0xFFFFFCE0] =	vst v0  }
0x1b0: {  	[tilespmem:s16+$0xFFFFFCD0] =	vst v0  }
0x1b1: {  	[tilespmem:s16+$0xFFFFFC80] =	vst v0  }
0x1b2: {  	[tilespmem:s16+$0xFFFFFC70] =	vst v0  }
0x1b3: {  	[tilespmem:s16+$0xFFFFFC60] =	vst v0  }
0x1b4: {  	[tilespmem:s16+$0xFFFFFC50] =	vst v0  }
0x1b5: {  	[tilespmem:s16+$0xFFFFD400] =	vst v0  }
0x1b6: {  	[tilespmem:s16+$0xFFFFD3F0] =	vst v0  }
0x1b7: {  	[tilespmem:s16+$0xFFFFD3E0] =	vst v0  }
0x1b8: {  	[tilespmem:s16+$0xFFFFD3D0] =	vst v0  }
0x1b9: {  	[tilespmem:s16+$0xFFFFD380] =	vst v0  }
0x1ba: {  	[tilespmem:s16+$0xFFFFD370] =	vst v0  }
0x1bb: {  	[tilespmem:s16+$0xFFFFD360] =	vst v0  }
0x1bc: {  	[tilespmem:s16+$0xFFFFD350] =	vst v0  }
0x1bd: {  	[tilespmem:s16+$0xFFFFD300] =	vst v0  }
0x1be: {  	[tilespmem:s16+$0xFFFFD2F0] =	vst v0  }
0x1bf: {  	[tilespmem:s16+$0xFFFFD2E0] =	vst v0  }
0x1c0: {  	[tilespmem:s16+$0xFFFFD2D0] =	vst v0  }
0x1c1: {  	[tilespmem:s16+$0xFFFFD280] =	vst v0  }
0x1c2: {  	[tilespmem:s16+$0xFFFFD270] =	vst v0  }
0x1c3: {  	[tilespmem:s16+$0xFFFFD260] =	vst v0  }
0x1c4: {  	[tilespmem:s16+$0xFFFFD250] =	vst v0  }
0x1c5: {  	[tilespmem:s16+$0xFFFFD200] =	vst v0  }
0x1c6: {  	[tilespmem:s16+$0xFFFFD1F0] =	vst v0  }
0x1c7: {  	[tilespmem:s16+$0xFFFFD1E0] =	vst v0  }
0x1c8: {  	[tilespmem:s16+$0xFFFFD1D0] =	vst v0  }
0x1c9: {  	[tilespmem:s16+$0xFFFFD180] =	vst v0  }
0x1ca: {  	[tilespmem:s16+$0xFFFFD170] =	vst v0  }
0x1cb: {  	[tilespmem:s16+$0xFFFFD160] =	vst v0  }
0x1cc: {  	[tilespmem:s16+$0xFFFFD150] =	vst v0  }
0x1cd: {  	[tilespmem:s16+$0xFFFFD100] =	vst v0  }
0x1ce: {  	[tilespmem:s16+$0xFFFFD0F0] =	vst v0  }
0x1cf: {  	[tilespmem:s16+$0xFFFFD0E0] =	vst v0  }
0x1d0: {  	[tilespmem:s16+$0xFFFFD0D0] =	vst v0  }
0x1d1: {  	[tilespmem:s16+$0xFFFFD080] =	vst v0  }
0x1d2: {  	[tilespmem:s16+$0xFFFFD070] =	vst v0  }
0x1d3: {  	[tilespmem:s16+$0xFFFFD060] =	vst v0  }
0x1d4: {  	[tilespmem:s16+$0xFFFFD050] =	vst v0  }
0x1d5: {  	[tilespmem:s16+$0xFFFFFFC0] =	vst v0  }
0x1d6: {  	[tilespmem:s16+$0xFFFFFFB0] =	vst v0  }
0x1d7: {  	[tilespmem:s16+$0xFFFFFFA0] =	vst v0  }
0x1d8: {  	[tilespmem:s16+$0xFFFFFF90] =	vst v0  }
0x1d9: {  	[tilespmem:s16+$0xFFFFFF40] =	vst v0  }
0x1da: {  	[tilespmem:s16+$0xFFFFFF30] =	vst v0  }
0x1db: {  	[tilespmem:s16+$0xFFFFFF20] =	vst v0  }
0x1dc: {  	[tilespmem:s16+$0xFFFFFF10] =	vst v0  }
0x1dd: {  	[tilespmem:s16+$0xFFFFFEC0] =	vst v0  }
0x1de: {  	[tilespmem:s16+$0xFFFFFEB0] =	vst v0  }
0x1df: {  	[tilespmem:s16+$0xFFFFFEA0] =	vst v0  }
0x1e0: {  	[tilespmem:s16+$0xFFFFFE90] =	vst v0  }
0x1e1: {  	[tilespmem:s16+$0xFFFFFE40] =	vst v0  }
0x1e2: {  	[tilespmem:s16+$0xFFFFFE30] =	vst v0  }
0x1e3: {  	[tilespmem:s16+$0xFFFFFE20] =	vst v0  }
0x1e4: {  	[tilespmem:s16+$0xFFFFFE10] =	vst v0  }
0x1e5: {  	[tilespmem:s16+$0xFFFFFDC0] =	vst v0  }
0x1e6: {  	[tilespmem:s16+$0xFFFFFDB0] =	vst v0  }
0x1e7: {  	[tilespmem:s16+$0xFFFFFDA0] =	vst v0  }
0x1e8: {  	[tilespmem:s16+$0xFFFFFD90] =	vst v0  }
0x1e9: {  	[tilespmem:s16+$0xFFFFFD40] =	vst v0  }
0x1ea: {  	[tilespmem:s16+$0xFFFFFD30] =	vst v0  }
0x1eb: {  	[tilespmem:s16+$0xFFFFFD20] =	vst v0  }
0x1ec: {  	[tilespmem:s16+$0xFFFFFD10] =	vst v0  }
0x1ed: {  	[tilespmem:s16+$0xFFFFFCC0] =	vst v0  }
0x1ee: {  	[tilespmem:s16+$0xFFFFFCB0] =	vst v0  }
0x1ef: {  	[tilespmem:s16+$0xFFFFFCA0] =	vst v0  }
0x1f0: {  	[tilespmem:s16+$0xFFFFFC90] =	vst v0  }
0x1f1: {  	[tilespmem:s16+$0xFFFFFC40] =	vst v0  }
0x1f2: {  	[tilespmem:s16+$0xFFFFFC30] =	vst v0  }
0x1f3: {  	[tilespmem:s16+$0xFFFFFC20] =	vst v0  }
0x1f4: {  	[tilespmem:s16+$0xFFFFFC10] =	vst v0  }
0x1f5: {  	[tilespmem:s16+$0xFFFFD3C0] =	vst v0  }
0x1f6: {  	[tilespmem:s16+$0xFFFFD3B0] =	vst v0  }
0x1f7: {  	[tilespmem:s16+$0xFFFFD3A0] =	vst v0  }
0x1f8: {  	[tilespmem:s16+$0xFFFFD390] =	vst v0  }
0x1f9: {  	[tilespmem:s16+$0xFFFFD340] =	vst v0  }
0x1fa: {  	[tilespmem:s16+$0xFFFFD330] =	vst v0  }
0x1fb: {  	[tilespmem:s16+$0xFFFFD320] =	vst v0  }
0x1fc: {  	[tilespmem:s16+$0xFFFFD310] =	vst v0  }
0x1fd: {  	[tilespmem:s16+$0xFFFFD2C0] =	vst v0  }
0x1fe: {  	[tilespmem:s16+$0xFFFFD2B0] =	vst v0  }
0x1ff: {  	[tilespmem:s16+$0xFFFFD2A0] =	vst v0  }
0x200: {  	[tilespmem:s16+$0xFFFFD290] =	vst v0  }
0x201: {  	[tilespmem:s16+$0xFFFFD240] =	vst v0  }
0x202: {  	[tilespmem:s16+$0xFFFFD230] =	vst v0  }
0x203: {  	[tilespmem:s16+$0xFFFFD220] =	vst v0  }
0x204: {  	[tilespmem:s16+$0xFFFFD210] =	vst v0  }
0x205: {  	[tilespmem:s16+$0xFFFFD1C0] =	vst v0  }
0x206: {  	[tilespmem:s16+$0xFFFFD1B0] =	vst v0  }
0x207: {  	[tilespmem:s16+$0xFFFFD1A0] =	vst v0  }
0x208: {  	[tilespmem:s16+$0xFFFFD190] =	vst v0  }
0x209: {  	[tilespmem:s16+$0xFFFFD140] =	vst v0  }
0x20a: {  	[tilespmem:s16+$0xFFFFD130] =	vst v0  }
0x20b: {  	[tilespmem:s16+$0xFFFFD120] =	vst v0  }
0x20c: {  	[tilespmem:s16+$0xFFFFD110] =	vst v0  }
0x20d: {  	[tilespmem:s16+$0xFFFFD0C0] =	vst v0  }
.Ltmp1:
0x20e: {  	[tilespmem:s16+$0xFFFFD0B0] =	vst v0;
	(pc) =	sbr.rel @p0 .LBB2_4-.Ltmp1, $4  }
0x20f: {  	[tilespmem:s16+$0xFFFFD0A0] =	vst v0  }
0x210: {  	[tilespmem:s16+$0xFFFFD090] =	vst v0  }
0x211: {  	[tilespmem:s16+$0xFFFFD040] =	vst v0  }
0x212: {  	[tilespmem:s16+$0xFFFFD030] =	vst v0  }
0x213: {  	[tilespmem:s16+$0xFFFFD020] =	vst v0  }
0x214: {  	_ =	swait.ge [sflag:s9], $0x52E0  }
0x215: {  	[sflag:s9] =	ssyncset.done $0x0  }
0x216: {  	s16 =	simm.s32 $0x0;
	s17 =	simm.s32 $0x0;
	[sflag:s9] =	ssyncadd.s32 $0xFFFFAD20  }
.LBB2_6:
0x217: {  	s18 =	smul.u32 $0x33, s17;
	_ =	sdelay $0x1  }
0x218: {  	s22 =	simm.s32 $0x4;
	v4 =	vadd.s32 s18, v1  }
0x219: {  	s19 =	simm.s32 $0x5;
	v5 =	vadd.s32 s22, v4  }
0x21a: {  	s23 =	simm.s32 $0x2;
	v6 =	vadd.s32 s19, v4  }
0x21b: {  	s24 =	simm.s32 $0x3;
	v7 =	vadd.s32 s23, v4  }
0x21c: {  	s25 =	simm.s32 $0x1;
	v8 =	vadd.s32 s24, v4  }
0x21d: {  	s26 =	simm.s32 $0x9;
	v9 =	vadd.s32 s25, v4  }
0x21e: {  	v12 =	vadd.s32 s26, v4;
	v10 =	vld.idx.msk [tilespmem:v5+s2+$0x0], $0xffff  }
0x21f: {  	v11 =	vld.idx.msk [tilespmem:v6+s2+$0x0], $0xffff  }
0x220: {  	v7 =	vld.idx.msk [tilespmem:v7+s2+$0x0], $0xffff  }
0x221: {  	v8 =	vld.idx.msk [tilespmem:v8+s2+$0x0], $0xffff  }
0x222: {  	v9 =	vld.idx.msk [tilespmem:v9+s2+$0x0], $0xffff  }
0x223: {  	s28 =	simm.s32 $0x7;
	s29 =	smul.u32 $0x32, s17;
	v14 =	vadd.s32 s16, v4;
	v12 =	vld.idx.msk [tilespmem:v12+s2+$0x0], $0xffff  }
0x224: {  	s30 =	simm.s32 $0x8;
	v13 =	vadd.s32 s28, v4  }
0x225: {  	s31 =	simm.s32 $0x6;
	v18 =	vadd.s32 s30, v4;
	v5 =	vmov s29  }
0x226: {  	v6 =	vadd.s32 s31, v4;
	v10 =	vadd.s32 v5, v10;
	v11 =	vadd.s32 v5, v11  }
0x227: {  	v7 =	vadd.s32 v5, v7;
	v8 =	vadd.s32 v5, v8;
	v9 =	vadd.s32 v5, v9  }
0x228: {  	v21 =	vld.idx.msk [tilespmem:v14+s2+$0x0], $0xffff;
	v23 =	vadd.s32 v5, v12;
	v17 =	vand.u32 $0x7F, v10;
	v15 =	vshll.u32 v11, $0x3  }
0x229: {  	v19 =	vld.idx.msk [tilespmem:v13+s2+$0x0], $0xffff;
	v16 =	vshll.u32 v7, $0x3;
	v13 =	vand.u32 $0x7F, v7;
	v22 =	vand.u32 $0x7F, v11  }
0x22a: {  	v7 =	vand.u32 $0x7F, v8;
	v8 =	vshll.u32 v8, $0x3;
	v14 =	vand.u32 $0x7F, v9  }
0x22b: {  	v9 =	vshll.u32 v9, $0x3;
	v10 =	vshll.u32 v10, $0x3;
	v11 =	vld.idx.msk [tilespmem:v18+s2+$0x0], $0xffff;
	v18 =	vand.u32 $0x7F, v23  }
0x22c: {  	v20 =	vand.u32 $0xFFFFFC00, v15;
	v15 =	vand.u32 $0xFFFFFC00, v16;
	v16 =	vand.u32 $0xFFFFFC00, v9  }
0x22d: {  	v9 =	vand.u32 $0xFFFFFC00, v10;
	v8 =	vand.u32 $0xFFFFFC00, v8;
	v10 =	vadd.s32 v5, v21  }
0x22e: {  	v9 =	vor.u32 v17, v9;
	v17 =	vadd.s32 v5, v19;
	v19 =	vshll.u32 v23, $0x3  }
0x22f: {  	s19 =	simm.s32 $0xA;
	v12 =	vadd.s32 v2, v9;
	v9 =	vor.u32 v22, v20;
	v19 =	vand.u32 $0xFFFFFC00, v19  }
.LBB2_7:
0x230: {  	s18 =	sadd.s32 $0x1, s19  }
0x231: {  	s20 =	sadd.s32 $0x2, s19;
	s21 =	sadd.s32 $0x3, s19;
	v13 =	vor.u32 v13, v15;
	v15 =	vshll.u32 v17, $0x3;
	v18 =	vor.u32 v18, v19;
	s22 =	smov.u32 s19  }
0x232: {  	s23 =	sadd.s32 $0x6, s19;
	v14 =	vor.u32 v14, v16;
	v19 =	vadd.s32 s18, v4;
	v20 =	vadd.s32 s20, v4;
	s18 =	sadd.s32 $0x4, s19;
	s20 =	sadd.s32 $0x5, s19;
	v16 =	vld.idx.msk [tilespmem:v6+s2+$0x0], $0xffff  }
0x233: {  	v17 =	vand.u32 $0x7F, v17;
	s24 =	sadd.s32 $0x8, s22;
	v21 =	vadd.s32 s18, v4;
	v22 =	vadd.s32 s20, v4;
	s20 =	sadd.s32 $0x7, s22;
	s18 =	sadd.s32 $0xA, s19  }
0x234: {  	p0 =	slt.u32 s19, $0x28;
	v11 =	vadd.s32 v5, v11;
	v24 =	vadd.s32 s24, v4;
	v23 =	vadd.s32 s20, v4;
	[tilespmem:v12+s10+$0x0] =	vst.idx.add.f32.msk $0xffff, v3  }
0x235: {  	v25 =	vadd.s32 s21, v4;
	v15 =	vand.u32 $0xFFFFFC00, v15;
	s19 =	sadd.s32 $0x9, s22;
	v12 =	vadd.s32 s22, v4  }
0x236: {  	v27 =	vand.u32 $0x7F, v10;
	v6 =	vadd.s32 s23, v4;
	v26 =	vadd.s32 s19, v4  }
0x237: {  	v10 =	vshll.u32 v10, $0x3;
	v13 =	vadd.s32 v2, v13;
	v18 =	vadd.s32 v2, v18;
	v20 =	vld.idx.msk [tilespmem:v20+s2+$0x0], $0xffff  }
0x238: {  	v7 =	vor.u32 v7, v8;
	v10 =	vand.u32 $0xFFFFFC00, v10;
	v8 =	vadd.s32 v5, v16;
	v21 =	vld.idx.msk [tilespmem:v21+s2+$0x0], $0xffff  }
0x239: {  	v7 =	vadd.s32 v2, v7;
	v10 =	vor.u32 v27, v10;
	v16 =	vld.idx.msk [tilespmem:v22+s2+$0x0], $0xffff;
	v22 =	vshll.u32 v8, $0x3  }
0x23a: {  	v9 =	vadd.s32 v2, v9;
	v27 =	vshll.u32 v11, $0x3;
	v8 =	vand.u32 $0x7F, v8;
	v25 =	vld.idx.msk [tilespmem:v25+s2+$0x0], $0xffff  }
0x23b: {  	v11 =	vand.u32 $0x7F, v11;
	v27 =	vand.u32 $0xFFFFFC00, v27;
	v22 =	vand.u32 $0xFFFFFC00, v22;
	v19 =	vld.idx.msk [tilespmem:v19+s2+$0x0], $0xffff  }
0x23c: {  	v15 =	vor.u32 v17, v15;
	v11 =	vor.u32 v11, v27;
	v8 =	vor.u32 v8, v22;
	v26 =	vld.idx.msk [tilespmem:v26+s2+$0x0], $0xffff  }
0x23d: {  	v22 =	vadd.s32 v2, v11;
	v8 =	vadd.s32 v2, v8;
	[tilespmem:v13+s10+$0x0] =	vst.idx.add.f32.msk $0xffff, v3  }
0x23e: {  	v17 =	vadd.s32 v5, v21;
	v21 =	vadd.s32 v2, v14;
	[tilespmem:v7+s10+$0x0] =	vst.idx.add.f32.msk $0xffff, v3  }
0x23f: {  	v27 =	vand.u32 $0x7F, v17;
	v7 =	vadd.s32 v5, v16;
	[tilespmem:v9+s10+$0x0] =	vst.idx.add.f32.msk $0xffff, v3;
	v9 =	vadd.s32 v2, v15  }
0x240: {  	v11 =	vadd.s32 v5, v20;
	v14 =	vadd.s32 v5, v25;
	v13 =	vshll.u32 v7, $0x3;
	v20 =	vld.idx.msk [tilespmem:v23+s2+$0x0], $0xffff  }
0x241: {  	v15 =	vshll.u32 v11, $0x3;
	v25 =	vadd.s32 v2, v10;
	v23 =	vand.u32 $0xFFFFFC00, v13;
	v12 =	vld.idx.msk [tilespmem:v12+s2+$0x0], $0xffff  }
0x242: {  	v10 =	vadd.s32 v5, v19;
	v13 =	vand.u32 $0x7F, v11;
	v19 =	vand.u32 $0x7F, v7;
	[tilespmem:v8+s10+$0x0] =	vst.idx.add.f32.msk $0xffff, v3  }
0x243: {  	v15 =	vand.u32 $0xFFFFFC00, v15;
	v7 =	vand.u32 $0x7F, v14;
	v8 =	vshll.u32 v14, $0x3;
	v11 =	vld.idx.msk [tilespmem:v24+s2+$0x0], $0xffff  }
.Ltmp2:
0x244: {  	v17 =	vshll.u32 v17, $0x3;
	v14 =	vand.u32 $0x7F, v10;
	v10 =	vshll.u32 v10, $0x3;
	[tilespmem:v18+s10+$0x0] =	vst.idx.add.f32.msk $0xffff, v3;
	(pc) =	sbr.rel @p0 .LBB2_7-.Ltmp2, $4  }
0x245: {  	v16 =	vand.u32 $0xFFFFFC00, v10;
	v10 =	vand.u32 $0xFFFFFC00, v17;
	v18 =	vadd.s32 v5, v26;
	[tilespmem:v9+s10+$0x0] =	vst.idx.add.f32.msk $0xffff, v3  }
0x246: {  	v8 =	vand.u32 $0xFFFFFC00, v8;
	v9 =	vor.u32 v27, v10;
	v17 =	vadd.s32 v5, v20;
	[tilespmem:v21+s10+$0x0] =	vst.idx.add.f32.msk $0xffff, v3  }
0x247: {  	v20 =	vshll.u32 v18, $0x3;
	v10 =	vadd.s32 v5, v12;
	v12 =	vadd.s32 v2, v9;
	[tilespmem:v25+s10+$0x0] =	vst.idx.add.f32.msk $0xffff, v3  }
0x248: {  	s19 =	smov.u32 s18;
	v18 =	vand.u32 $0x7F, v18;
	v9 =	vor.u32 v19, v23;
	v19 =	vand.u32 $0xFFFFFC00, v20;
	[tilespmem:v22+s10+$0x0] =	vst.idx.add.f32.msk $0xffff, v3  }
0x249: {  	_ =	sdelay $0x3  }
0x24a: {  	v4 =	vld.idx.msk [tilespmem:v6+s2+$0x0], $0xffff  }
0x24b: {  	v50 =	vor.u32 v13, v15  }
0x24c: {  	v51 =	vshll.u32 v17, $0x3;
	v52 =	vor.u32 v18, v19;
	v14 =	vor.u32 v14, v16  }
0x24d: {  	v53 =	vand.u32 $0x7F, v17;
	v11 =	vadd.s32 v5, v11;
	v54 =	vor.u32 v7, v8  }
0x24e: {  	v9 =	vadd.s32 v2, v9;
	v57 =	vand.u32 $0x7F, v10;
	v58 =	vshll.u32 v10, $0x3  }
0x24f: {  	v6 =	vadd.s32 v2, v54;
	v56 =	vand.u32 $0xFFFFFC00, v51;
	v4 =	vadd.s32 v5, v4  }
0x250: {  	v59 =	vadd.s32 v2, v52;
	v5 =	vadd.s32 v2, v50;
	v55 =	vshll.u32 v4, $0x3  }
0x251: {  	v10 =	vand.u32 $0xFFFFFC00, v58;
	v4 =	vand.u32 $0x7F, v4;
	v7 =	vand.u32 $0xFFFFFC00, v55  }
0x252: {  	[tilespmem:v12+s10+$0x0] =	vst.idx.add.f32.msk $0xffff, v3;
	v60 =	vshll.u32 v11, $0x3;
	v62 =	vadd.s32 v2, v14;
	v4 =	vor.u32 v4, v7  }
0x253: {  	v61 =	vand.u32 $0x7F, v11;
	[tilespmem:v9+s10+$0x0] =	vst.idx.add.f32.msk $0xffff, v3;
	v7 =	vor.u32 v57, v10;
	v4 =	vadd.s32 v2, v4  }
0x254: {  	v8 =	vor.u32 v53, v56;
	[tilespmem:v6+s10+$0x0] =	vst.idx.add.f32.msk $0xffff, v3;
	v10 =	vand.u32 $0xFFFFFC00, v60;
	v7 =	vadd.s32 v2, v7  }
0x255: {  	s17 =	sadd.s32 $0x1, s17;
	v63 =	vor.u32 v61, v10;
	[tilespmem:v5+s10+$0x0] =	vst.idx.add.f32.msk $0xffff, v3;
	v5 =	vadd.s32 v2, v8  }
0x256: {  	p0 =	sne.s32 s17, $0x1A;
	[tilespmem:v59+s10+$0x0] =	vst.idx.add.f32.msk $0xffff, v3;
	v6 =	vadd.s32 v2, v63  }
.Ltmp3:
0x257: {  	[tilespmem:v62+s10+$0x0] =	vst.idx.add.f32.msk $0xffff, v3;
	(pc) =	sbr.rel @p0 .LBB2_6-.Ltmp3, $4  }
0x258: {  	[tilespmem:v4+s10+$0x0] =	vst.idx.add.f32.msk $0xffff, v3  }
0x259: {  	[tilespmem:v7+s10+$0x0] =	vst.idx.add.f32.msk $0xffff, v3  }
0x25a: {  	[tilespmem:v5+s10+$0x0] =	vst.idx.add.f32.msk $0xffff, v3  }
0x25b: {  	[tilespmem:v6+s10+$0x0] =	vst.idx.add.f32.msk $0xffff, v3  }
0x25c: {  	s16 =	simm.s32 $0x0  }
0x25d: {  	[hbm4b:s5+s16] =	stream.linear.scatter [tilespmem:s10], [sflag:$0x3], $0x5800, $0x38;
	[tilespmem:$0x15600] =	vst v63  }
0x25e: {  	_ =	swait.ge [sflag:s11], $0x52E0  }
0x25f: {  	[sflag:s11] =	ssyncset.done $0x0  }
0x260: {  	s17 =	simm.s32 $0x0;
	[sflag:s11] =	ssyncadd.s32 $0xFFFFAD20  }
.LBB2_10:
0x261: {  	s18 =	smul.u32 $0x33, s17;
	_ =	sdelay $0x1  }
0x262: {  	s22 =	simm.s32 $0x4;
	v4 =	vadd.s32 s18, v1  }
0x263: {  	s19 =	simm.s32 $0x5;
	v5 =	vadd.s32 s22, v4  }
0x264: {  	s23 =	simm.s32 $0x2;
	v6 =	vadd.s32 s19, v4  }
0x265: {  	s24 =	simm.s32 $0x3;
	v7 =	vadd.s32 s23, v4  }
0x266: {  	s25 =	simm.s32 $0x1;
	v8 =	vadd.s32 s24, v4  }
0x267: {  	s26 =	simm.s32 $0x9;
	v9 =	vadd.s32 s25, v4  }
0x268: {  	v12 =	vadd.s32 s26, v4;
	v10 =	vld.idx.msk [tilespmem:v5+s8+$0x0], $0xffff  }
0x269: {  	v11 =	vld.idx.msk [tilespmem:v6+s8+$0x0], $0xffff  }
0x26a: {  	v7 =	vld.idx.msk [tilespmem:v7+s8+$0x0], $0xffff  }
0x26b: {  	v8 =	vld.idx.msk [tilespmem:v8+s8+$0x0], $0xffff  }
0x26c: {  	v9 =	vld.idx.msk [tilespmem:v9+s8+$0x0], $0xffff  }
0x26d: {  	s28 =	simm.s32 $0x7;
	s29 =	smul.u32 $0x32, s17;
	v14 =	vadd.s32 s16, v4;
	v12 =	vld.idx.msk [tilespmem:v12+s8+$0x0], $0xffff  }
0x26e: {  	s30 =	simm.s32 $0x8;
	v13 =	vadd.s32 s28, v4  }
0x26f: {  	s31 =	simm.s32 $0x6;
	v18 =	vadd.s32 s30, v4;
	v5 =	vmov s29  }
0x270: {  	v6 =	vadd.s32 s31, v4;
	v10 =	vadd.s32 v5, v10;
	v11 =	vadd.s32 v5, v11  }
0x271: {  	v7 =	vadd.s32 v5, v7;
	v8 =	vadd.s32 v5, v8;
	v9 =	vadd.s32 v5, v9  }
0x272: {  	v21 =	vld.idx.msk [tilespmem:v14+s8+$0x0], $0xffff;
	v23 =	vadd.s32 v5, v12;
	v17 =	vand.u32 $0x7F, v10;
	v15 =	vshll.u32 v11, $0x3  }
0x273: {  	v19 =	vld.idx.msk [tilespmem:v13+s8+$0x0], $0xffff;
	v16 =	vshll.u32 v7, $0x3;
	v13 =	vand.u32 $0x7F, v7;
	v22 =	vand.u32 $0x7F, v11  }
0x274: {  	v7 =	vand.u32 $0x7F, v8;
	v8 =	vshll.u32 v8, $0x3;
	v14 =	vand.u32 $0x7F, v9  }
0x275: {  	v9 =	vshll.u32 v9, $0x3;
	v10 =	vshll.u32 v10, $0x3;
	v11 =	vld.idx.msk [tilespmem:v18+s8+$0x0], $0xffff;
	v18 =	vand.u32 $0x7F, v23  }
0x276: {  	v20 =	vand.u32 $0xFFFFFC00, v15;
	v15 =	vand.u32 $0xFFFFFC00, v16;
	v16 =	vand.u32 $0xFFFFFC00, v9  }
0x277: {  	v9 =	vand.u32 $0xFFFFFC00, v10;
	v8 =	vand.u32 $0xFFFFFC00, v8;
	v10 =	vadd.s32 v5, v21  }
0x278: {  	v9 =	vor.u32 v17, v9;
	v17 =	vadd.s32 v5, v19;
	v19 =	vshll.u32 v23, $0x3  }
0x279: {  	s19 =	simm.s32 $0xA;
	v12 =	vadd.s32 v2, v9;
	v9 =	vor.u32 v22, v20;
	v19 =	vand.u32 $0xFFFFFC00, v19  }
.LBB2_11:
0x27a: {  	s18 =	sadd.s32 $0x1, s19  }
0x27b: {  	s20 =	sadd.s32 $0x2, s19;
	s21 =	sadd.s32 $0x3, s19;
	v13 =	vor.u32 v13, v15;
	v15 =	vshll.u32 v17, $0x3;
	v18 =	vor.u32 v18, v19;
	s22 =	smov.u32 s19  }
0x27c: {  	s23 =	sadd.s32 $0x6, s19;
	v14 =	vor.u32 v14, v16;
	v19 =	vadd.s32 s18, v4;
	v20 =	vadd.s32 s20, v4;
	s18 =	sadd.s32 $0x4, s19;
	s20 =	sadd.s32 $0x5, s19;
	v16 =	vld.idx.msk [tilespmem:v6+s8+$0x0], $0xffff  }
0x27d: {  	v17 =	vand.u32 $0x7F, v17;
	s24 =	sadd.s32 $0x8, s22;
	v21 =	vadd.s32 s18, v4;
	v22 =	vadd.s32 s20, v4;
	s20 =	sadd.s32 $0x7, s22;
	s18 =	sadd.s32 $0xA, s19  }
0x27e: {  	p0 =	slt.u32 s19, $0x28;
	v11 =	vadd.s32 v5, v11;
	v24 =	vadd.s32 s24, v4;
	v23 =	vadd.s32 s20, v4;
	[tilespmem:v12+s12+$0x0] =	vst.idx.add.f32.msk $0xffff, v3  }
0x27f: {  	v25 =	vadd.s32 s21, v4;
	v15 =	vand.u32 $0xFFFFFC00, v15;
	s19 =	sadd.s32 $0x9, s22;
	v12 =	vadd.s32 s22, v4  }
0x280: {  	v27 =	vand.u32 $0x7F, v10;
	v6 =	vadd.s32 s23, v4;
	v26 =	vadd.s32 s19, v4  }
0x281: {  	v10 =	vshll.u32 v10, $0x3;
	v13 =	vadd.s32 v2, v13;
	v18 =	vadd.s32 v2, v18;
	v20 =	vld.idx.msk [tilespmem:v20+s8+$0x0], $0xffff  }
0x282: {  	v7 =	vor.u32 v7, v8;
	v10 =	vand.u32 $0xFFFFFC00, v10;
	v8 =	vadd.s32 v5, v16;
	v21 =	vld.idx.msk [tilespmem:v21+s8+$0x0], $0xffff  }
0x283: {  	v7 =	vadd.s32 v2, v7;
	v10 =	vor.u32 v27, v10;
	v16 =	vld.idx.msk [tilespmem:v22+s8+$0x0], $0xffff;
	v22 =	vshll.u32 v8, $0x3  }
0x284: {  	v9 =	vadd.s32 v2, v9;
	v27 =	vshll.u32 v11, $0x3;
	v8 =	vand.u32 $0x7F, v8;
	v25 =	vld.idx.msk [tilespmem:v25+s8+$0x0], $0xffff  }
0x285: {  	v11 =	vand.u32 $0x7F, v11;
	v27 =	vand.u32 $0xFFFFFC00, v27;
	v22 =	vand.u32 $0xFFFFFC00, v22;
	v19 =	vld.idx.msk [tilespmem:v19+s8+$0x0], $0xffff  }
0x286: {  	v15 =	vor.u32 v17, v15;
	v11 =	vor.u32 v11, v27;
	v8 =	vor.u32 v8, v22;
	v26 =	vld.idx.msk [tilespmem:v26+s8+$0x0], $0xffff  }
0x287: {  	v22 =	vadd.s32 v2, v11;
	v8 =	vadd.s32 v2, v8;
	[tilespmem:v13+s12+$0x0] =	vst.idx.add.f32.msk $0xffff, v3  }
0x288: {  	v17 =	vadd.s32 v5, v21;
	v21 =	vadd.s32 v2, v14;
	[tilespmem:v7+s12+$0x0] =	vst.idx.add.f32.msk $0xffff, v3  }
0x289: {  	v27 =	vand.u32 $0x7F, v17;
	v7 =	vadd.s32 v5, v16;
	[tilespmem:v9+s12+$0x0] =	vst.idx.add.f32.msk $0xffff, v3;
	v9 =	vadd.s32 v2, v15  }
0x28a: {  	v11 =	vadd.s32 v5, v20;
	v14 =	vadd.s32 v5, v25;
	v13 =	vshll.u32 v7, $0x3;
	v20 =	vld.idx.msk [tilespmem:v23+s8+$0x0], $0xffff  }
0x28b: {  	v15 =	vshll.u32 v11, $0x3;
	v25 =	vadd.s32 v2, v10;
	v23 =	vand.u32 $0xFFFFFC00, v13;
	v12 =	vld.idx.msk [tilespmem:v12+s8+$0x0], $0xffff  }
0x28c: {  	v10 =	vadd.s32 v5, v19;
	v13 =	vand.u32 $0x7F, v11;
	v19 =	vand.u32 $0x7F, v7;
	[tilespmem:v8+s12+$0x0] =	vst.idx.add.f32.msk $0xffff, v3  }
0x28d: {  	v15 =	vand.u32 $0xFFFFFC00, v15;
	v7 =	vand.u32 $0x7F, v14;
	v8 =	vshll.u32 v14, $0x3;
	v11 =	vld.idx.msk [tilespmem:v24+s8+$0x0], $0xffff  }
.Ltmp4:
0x28e: {  	v17 =	vshll.u32 v17, $0x3;
	v14 =	vand.u32 $0x7F, v10;
	v10 =	vshll.u32 v10, $0x3;
	[tilespmem:v18+s12+$0x0] =	vst.idx.add.f32.msk $0xffff, v3;
	(pc) =	sbr.rel @p0 .LBB2_11-.Ltmp4, $4  }
0x28f: {  	v16 =	vand.u32 $0xFFFFFC00, v10;
	v10 =	vand.u32 $0xFFFFFC00, v17;
	v18 =	vadd.s32 v5, v26;
	[tilespmem:v9+s12+$0x0] =	vst.idx.add.f32.msk $0xffff, v3  }
0x290: {  	v8 =	vand.u32 $0xFFFFFC00, v8;
	v9 =	vor.u32 v27, v10;
	v17 =	vadd.s32 v5, v20;
	[tilespmem:v21+s12+$0x0] =	vst.idx.add.f32.msk $0xffff, v3  }
0x291: {  	v20 =	vshll.u32 v18, $0x3;
	v10 =	vadd.s32 v5, v12;
	v12 =	vadd.s32 v2, v9;
	[tilespmem:v25+s12+$0x0] =	vst.idx.add.f32.msk $0xffff, v3  }
0x292: {  	s19 =	smov.u32 s18;
	v18 =	vand.u32 $0x7F, v18;
	v9 =	vor.u32 v19, v23;
	v19 =	vand.u32 $0xFFFFFC00, v20;
	[tilespmem:v22+s12+$0x0] =	vst.idx.add.f32.msk $0xffff, v3  }
0x293: {  	_ =	sdelay $0x3  }
0x294: {  	v4 =	vld.idx.msk [tilespmem:v6+s8+$0x0], $0xffff  }
0x295: {  	v50 =	vor.u32 v13, v15  }
0x296: {  	v51 =	vshll.u32 v17, $0x3;
	v52 =	vor.u32 v18, v19;
	v14 =	vor.u32 v14, v16  }
0x297: {  	v53 =	vand.u32 $0x7F, v17;
	v11 =	vadd.s32 v5, v11;
	v54 =	vor.u32 v7, v8  }
0x298: {  	v9 =	vadd.s32 v2, v9;
	v57 =	vand.u32 $0x7F, v10;
	v58 =	vshll.u32 v10, $0x3  }
0x299: {  	v6 =	vadd.s32 v2, v54;
	v56 =	vand.u32 $0xFFFFFC00, v51;
	v4 =	vadd.s32 v5, v4  }
0x29a: {  	v59 =	vadd.s32 v2, v52;
	v5 =	vadd.s32 v2, v50;
	v55 =	vshll.u32 v4, $0x3  }
0x29b: {  	v10 =	vand.u32 $0xFFFFFC00, v58;
	v4 =	vand.u32 $0x7F, v4;
	v7 =	vand.u32 $0xFFFFFC00, v55  }
0x29c: {  	[tilespmem:v12+s12+$0x0] =	vst.idx.add.f32.msk $0xffff, v3;
	v60 =	vshll.u32 v11, $0x3;
	v62 =	vadd.s32 v2, v14;
	v4 =	vor.u32 v4, v7  }
0x29d: {  	v61 =	vand.u32 $0x7F, v11;
	[tilespmem:v9+s12+$0x0] =	vst.idx.add.f32.msk $0xffff, v3;
	v7 =	vor.u32 v57, v10;
	v4 =	vadd.s32 v2, v4  }
0x29e: {  	v8 =	vor.u32 v53, v56;
	[tilespmem:v6+s12+$0x0] =	vst.idx.add.f32.msk $0xffff, v3;
	v10 =	vand.u32 $0xFFFFFC00, v60;
	v7 =	vadd.s32 v2, v7  }
0x29f: {  	s17 =	sadd.s32 $0x1, s17;
	v63 =	vor.u32 v61, v10;
	[tilespmem:v5+s12+$0x0] =	vst.idx.add.f32.msk $0xffff, v3;
	v5 =	vadd.s32 v2, v8  }
0x2a0: {  	p0 =	sne.s32 s17, $0x1A;
	[tilespmem:v59+s12+$0x0] =	vst.idx.add.f32.msk $0xffff, v3;
	v6 =	vadd.s32 v2, v63  }
.Ltmp5:
0x2a1: {  	[tilespmem:v62+s12+$0x0] =	vst.idx.add.f32.msk $0xffff, v3;
	(pc) =	sbr.rel @p0 .LBB2_10-.Ltmp5, $4  }
0x2a2: {  	[tilespmem:v4+s12+$0x0] =	vst.idx.add.f32.msk $0xffff, v3  }
0x2a3: {  	[tilespmem:v7+s12+$0x0] =	vst.idx.add.f32.msk $0xffff, v3  }
0x2a4: {  	[tilespmem:v5+s12+$0x0] =	vst.idx.add.f32.msk $0xffff, v3  }
0x2a5: {  	[tilespmem:v6+s12+$0x0] =	vst.idx.add.f32.msk $0xffff, v3  }
0x2a6: {  	[hbm4b:s6+s2] =	stream.linear.scatter [tilespmem:s12], [sflag:$0x4], $0x5800, $0x38;
	[tilespmem:$0x15600] =	vst v63  }
0x2a7: {  	s15 =	sadd.s32 $0x1, s15  }
0x2a8: {  	_ =	swait.ge [sflag:s13], $0x5800;
	p0 =	sne.s32 s15, s7  }
.Ltmp6:
0x2a9: {  	[sflag:s13] =	ssyncset.done $0x0;
	(pc) =	sbr.rel @p0 .LBB2_1-.Ltmp6, $4  }
0x2aa: {  	[sflag:s13] =	ssyncadd.s32 $0xFFFFA800  }
0x2ab: {  	_ =	swait.ge [sflag:s14], $0x5800  }
0x2ac: {  	[sflag:s14] =	ssyncset.done $0x0  }
0x2ad: {  	[sflag:s14] =	ssyncadd.s32 $0xFFFFA800  }
0x2ae: {  	_ =	sfence.sel $0x180000  }
0x2af: {  	[bflag:$0x0] =	sbarrier.arrive $0xFFFF  }
0x2b0: {  	p0 =	sne.s32 s0, $0x0;
	_ =	strace $0x90000047  }
0x2b1: {  	s0 =	sadd.s32 @!p0 $0x100000, s1;
	[bflag:$0x2] =	sbarrier.arrive $0xFFFF  }
0x2b2: {  	[sflag:s0] =	ssyncadd.tile.s32 @!p0 $0x1;
	_ =	shalt  }
.Lfunc_end2:
_tile_overlayer_lowered:
.L_overlay_start_2:
0x2b3: {  	(tag) =	ssettag $0x2  }
0x2b4: {  	s0 =	rddreg [dreg:$0x0];
	s2 =	stileid.u32  }
0x2b5: {  	s1 =	rddreg [dreg:$0x1];
	p0 =	sne.s32 s2, $0x0  }
0x2b6: {  	s3 =	rddreg [dreg:$0x2];
	[bflag:$0x3] =	sbarrier.arrive $0xFFFF;
	s2 =	simm.s32 @!p0 $0x1C05  }
0x2b7: {  	[timem:s3], [sflag:s2] =	dma.local @!p0 [hbm:s0], s1  }
0x2b8: {  	s0 =	simm.s32 @!p0 $0x5  }
0x2b9: {  	_ =	swait.ge @!p0 [sflag:s0], s1  }
0x2ba: {  	s1 =	ssub.s32 @!p0 $0x0, s1;
	[sflag:s0] =	ssyncset.done @!p0 $0x0  }
0x2bb: {  	[sflag:s0] =	ssyncadd.s32 @!p0 s1  }
0x2bc: {  	[bflag:$0x3] =	sbarrier.arrive $0xFFFF  }
0x2bd: {  	_ =	shalt  }

</sc_bundles>
